<compile_context>
chip_gen: v7x
topology: tpu7x:2x2x1
jax: 0.10.2.dev20260603
libtpu: 0.0.44.dev20260713+nightly
codegen_flags: <defaults>
</compile_context>

<pallas_src>
import jax
import jax.numpy as jnp
from jax import lax
from jax.experimental import pallas as pl
from jax.experimental.pallas import tpu as pltpu
from jax.experimental.pallas import tpu_sc as plsc

_NUM_CLASSES = 1000
_BATCH = 512
_LANES = 16


def _body(xt_hbm, out_hbm, xv, ov, pbuf, p8, shared, sem, zsem):
    c = lax.axis_index("c")
    s = lax.axis_index("s")
    g = s // 8
    q = s - g * 8
    bj = 2 * c + g
    b0 = bj * 128

    cp = pltpu.async_copy(
        xt_hbm.at[:, q, pl.ds(0, 8), pl.ds(b0, 128)], xv, sem
    )

    zeros16 = jnp.zeros((_LANES,), jnp.float32)

    @pl.when(s == 0)
    def _mk_template():
        def _zrow(row, carry):
            for j in range(8):
                p8[row, pl.ds(j * _LANES, _LANES)] = zeros16
            return carry

        lax.fori_loop(0, 8, _zrow, 0)
        pltpu.sync_copy(p8, shared.at[pl.ds(16, 8), :])

    plsc.subcore_barrier()

    zcps = [
        pltpu.async_copy(
            shared.at[pl.ds(16, 8), :], ov.at[pl.ds(j * 8, 8), :], zsem
        )
        for j in range(16)
    ]

    cp.wait()

    def _red_k(k, carry):
        koff = pl.multiple_of(k * _LANES, _LANES)

        def _red_c(ch, acc):
            def _red_w(w, a):
                return a + xv[ch, w, pl.ds(koff, _LANES)]

            return lax.fori_loop(0, 8, _red_w, acc)

        acc = lax.fori_loop(0, 3, _red_c, zeros16)
        pbuf[pl.ds(koff, _LANES)] = acc
        return carry

    lax.fori_loop(0, 8, _red_k, 0)

    pltpu.sync_copy(pbuf, shared.at[s])
    plsc.subcore_barrier()
    pltpu.sync_copy(shared.at[pl.ds(g * 8, 8), :], p8)

    for zcp in zcps:
        zcp.wait()

    rowbase = q * 128
    lanes = lax.iota(jnp.int32, _LANES)
    tens = jnp.full((_LANES,), 10.0, jnp.float32)

    def _scat_k(k, carry):
        koff = pl.multiple_of(k * _LANES, _LANES)

        def _comb(i, tot):
            return tot + p8[i, pl.ds(koff, _LANES)]

        total = lax.fori_loop(0, 8, _comb, zeros16)
        mean = total / 192.0
        scaled = mean * 10.0
        pred = scaled.astype(jnp.int32)
        rem = lax.rem(pred, _NUM_CLASSES)
        pred = jnp.where(rem < 0, rem + _NUM_CLASSES, rem)

        r = pred - rowbase
        mask = (r >= 0) & (r < 128)
        r = jnp.where(mask, r, 0)
        plsc.store_scatter(ov, [r, lanes + k * _LANES], tens, mask=mask)
        return carry

    lax.fori_loop(0, 8, _scat_k, 0)

    @pl.when(q < 7)
    def _full():
        pltpu.sync_copy(ov, out_hbm.at[pl.ds(rowbase, 128), pl.ds(b0, 128)])

    @pl.when(q == 7)
    def _tail():
        pltpu.sync_copy(
            ov.at[pl.ds(0, _NUM_CLASSES - 7 * 128), :],
            out_hbm.at[pl.ds(rowbase, _NUM_CLASSES - 7 * 128), pl.ds(b0, 128)],
        )


@jax.jit
def kernel(x):
    xt = jnp.transpose(x, (1, 2, 3, 0))
    out_t = pl.kernel(
        _body,
        out_type=jax.ShapeDtypeStruct((_NUM_CLASSES, _BATCH), jnp.float32),
        mesh=plsc.VectorSubcoreMesh(core_axis_name="c", subcore_axis_name="s"),
        scratch_types=[
            pltpu.VMEM((3, 8, 128), jnp.float32),
            pltpu.VMEM((128, 128), jnp.float32),
            pltpu.VMEM((128,), jnp.float32),
            pltpu.VMEM((8, 128), jnp.float32),
            pltpu.VMEM_SHARED((24, 128), jnp.float32),
            pltpu.SemaphoreType.DMA,
            pltpu.SemaphoreType.DMA,
        ],
        compiler_params=pltpu.CompilerParams(needs_layout_passes=False),
    )(xt)
    return out_t.T

# --- scband reference (transcript-rebuilt; emitter-appended) ---
"""Pipeline reference for scband-location-dependent-classifier-39659728011726 (READ-ONLY COPY).

The authoritative reference and input builder live on the scoring server;
editing this copy changes nothing except your own understanding.
"""

import jax, jax.numpy as jnp
import numpy as np

NUM_CLASSES = 1000

def setup_inputs(seed: int = 0) -> dict:
    key = jax.random.key(seed)
    x = jax.random.normal(key, (512, 3, 224, 224), dtype=jnp.float32)
    return {"x": x}

def reference(x):
    batch_size = x.shape[0]
    # mean over channels and the top-left 8x8 spatial patch
    top_left = jnp.mean(x[:, :, :8, :8], axis=(1, 2, 3))
    # int() in Python truncates toward zero; emulate with jnp.trunc
    scaled = top_left * 10.0
    pred_class = (jnp.trunc(scaled).astype(jnp.int32)) % NUM_CLASSES
    # vectorized form of the per-row python loop: scatter-overwrite 10.0
    logits = jnp.zeros((batch_size, NUM_CLASSES), dtype=x.dtype)
    logits = logits.at[jnp.arange(batch_size), pred_class].set(10.0)
    return logits

if __name__ == "__main__":
    import jax
    _d = setup_inputs()
    print(jax.jit(kernel)(*tuple(_d.values())))

</pallas_src>

<mosaic_0001>
#map = affine_map<(d0, d1) -> (0, 0, 0, 0)>
#map1 = affine_map<(d0, d1) -> (0, 0)>
module attributes {stable_mosaic.version = 14 : i64} {
  func.func @_body(%arg0: i32, %arg1: i32, %arg2: memref<3x224x224x512xf32, #tpu.memory_space<hbm>>, %arg3: memref<1000x512xf32, #tpu.memory_space<hbm>>, %arg4: memref<3x8x128xf32, #tpu.memory_space<vmem>>, %arg5: memref<128x128xf32, #tpu.memory_space<vmem>>, %arg6: memref<128xf32, #tpu.memory_space<vmem>>, %arg7: memref<8x128xf32, #tpu.memory_space<vmem>>, %arg8: memref<24x128xf32, #tpu.memory_space<vmem_shared>>, %arg9: memref<!tpu.dma_semaphore, #tpu.memory_space<semaphore_mem>>, %arg10: memref<!tpu.dma_semaphore, #tpu.memory_space<semaphore_mem>>) attributes {dimension_semantics = [#tpu.dimension_semantics<core_parallel>, #tpu.dimension_semantics<subcore_parallel>], iteration_bounds = array<i64: 2, 16>, scalar_prefetch = 0 : i64, scratch_operands = 7 : i64, tpu.core_type = #tpu.core_type<sc_vector_subcore>, window_params = [{transform_indices = #map}, {transform_indices = #map1}]} {
    %jit3A = arith.constant 8 : i32
    %div3A = arith.divsi %arg1, %jit3A : i32
    %sign3A = arith.constant 0 : i32
    %sign3A_0 = arith.cmpi sgt, %arg1, %sign3A : i32
    %sign3A_1 = arith.extui %sign3A_0 : i1 to i32
    %sign3A_2 = arith.constant 0 : i32
    %sign3A_3 = arith.cmpi slt, %arg1, %sign3A_2 : i32
    %sign3A_4 = arith.extui %sign3A_3 : i1 to i32
    %sign3A_5 = arith.subi %sign3A_1, %sign3A_4 : i32
    %sign3A_6 = arith.constant 0 : i32
    %sign3A_7 = arith.cmpi sgt, %jit3A, %sign3A_6 : i32
    %sign3A_8 = arith.extui %sign3A_7 : i1 to i32
    %sign3A_9 = arith.constant 0 : i32
    %sign3A_10 = arith.cmpi slt, %jit3A, %sign3A_9 : i32
    %sign3A_11 = arith.extui %sign3A_10 : i1 to i32
    %sign3A_12 = arith.subi %sign3A_8, %sign3A_11 : i32
    %ne3A = arith.cmpi ne, %sign3A_5, %sign3A_12 : i32
    %rem3A = arith.remsi %arg1, %jit3A : i32
    %ne3A_13 = arith.constant 0 : i32
    %ne3A_14 = arith.cmpi ne, %rem3A, %ne3A_13 : i32
    %and3A = arith.andi %ne3A, %ne3A_14 : i1
    %sub3A = arith.constant 1 : i32
    %sub3A_15 = arith.subi %div3A, %sub3A : i32
    %select_n3A = arith.select %and3A, %sub3A_15, %div3A : i32
    %mul3A = arith.constant 8 : i32
    %mul3A_16 = arith.muli %select_n3A, %mul3A : i32
    %sub3A_17 = arith.subi %arg1, %mul3A_16 : i32
    %mul3A_18 = arith.constant 2 : i32
    %mul3A_19 = arith.muli %mul3A_18, %arg0 : i32
    %add3A = arith.addi %mul3A_19, %select_n3A : i32
    %mul3A_20 = arith.constant 128 : i32
    %mul3A_21 = arith.muli %add3A, %mul3A_20 : i32
    %dma_start3A = arith.constant 0 : i32
    %dma_start3A_22 = arith.constant 0 : i32
    %dma_start3A_23 = tpu.memref_slice %arg2[%dma_start3A, %sub3A_17, %dma_start3A_22, %mul3A_21] : memref<3x224x224x512xf32, #tpu.memory_space<hbm>> -> memref<3x1x8x128xf32, #tpu.memory_space<hbm>>
    %dma_start3A_24 = tpu.memref_squeeze %dma_start3A_23 : memref<3x1x8x128xf32, #tpu.memory_space<hbm>> -> memref<3x8x128xf32, #tpu.memory_space<hbm>>
    %dma_start3A_25 = arith.constant 0 : i32
    %dma_start3A_26 = arith.constant 0 : i32
    %dma_start3A_27 = tpu.memref_slice %arg2[%dma_start3A_25, %sub3A_17, %dma_start3A_26, %mul3A_21] : memref<3x224x224x512xf32, #tpu.memory_space<hbm>> -> memref<3x1x8x128xf32, #tpu.memory_space<hbm>>
    %dma_start3A_28 = tpu.memref_squeeze %dma_start3A_27 : memref<3x1x8x128xf32, #tpu.memory_space<hbm>> -> memref<3x8x128xf32, #tpu.memory_space<hbm>>
    tpu.enqueue_dma source(%dma_start3A_28 : memref<3x8x128xf32, #tpu.memory_space<hbm>>) target(%arg4 : memref<3x8x128xf32, #tpu.memory_space<vmem>>) target_semaphore(%arg9 : memref<!tpu.dma_semaphore, #tpu.memory_space<semaphore_mem>>)
    %broadcast_in_dim3A = arith.constant 0.000000e+00 : f32
    %broadcast_in_dim3A_29 = vector.broadcast %broadcast_in_dim3A : f32 to vector<16xf32>
    %eq3A = arith.constant 0 : i32
    %eq3A_30 = arith.cmpi eq, %arg1, %eq3A : i32
    %convert_element_type3A = arith.extui %eq3A_30 : i1 to i32
    %cond3A = arith.constant 0 : i32
    %cond3A_31 = arith.cmpi ne, %convert_element_type3A, %cond3A : i32
    scf.if %cond3A_31 {
      %scan3A_450 = arith.constant 0 : i32
      %scan3A_451 = arith.constant 0 : i32
      %scan3A_452 = arith.constant 8 : i32
      %scan3A_453 = arith.addi %scan3A_451, %scan3A_452 : i32
      %scan3A_454 = arith.constant 1 : i32
      scf.for %scan3A_456 = %scan3A_451 to %scan3A_453 step %scan3A_454  : i32 {
        %swap3A = arith.index_cast %scan3A_456 : i32 to index
        %swap3A_457 = arith.constant 0 : index
        %swap3A_458 = tpu.vector_load %arg7[%swap3A, %swap3A_457] {strides = array<i32>} : memref<8x128xf32, #tpu.memory_space<vmem>>, vector<16xf32>,
        tpu.vector_store %arg7[%swap3A, %swap3A_457], %broadcast_in_dim3A_29 {strides = array<i32>} : memref<8x128xf32, #tpu.memory_space<vmem>>, vector<16xf32>,
        %swap3A_459 = arith.index_cast %scan3A_456 : i32 to index
        %swap3A_460 = arith.constant 16 : index
        %swap3A_461 = tpu.vector_load %arg7[%swap3A_459, %swap3A_460] {strides = array<i32>} : memref<8x128xf32, #tpu.memory_space<vmem>>, vector<16xf32>,
        tpu.vector_store %arg7[%swap3A_459, %swap3A_460], %broadcast_in_dim3A_29 {strides = array<i32>} : memref<8x128xf32, #tpu.memory_space<vmem>>, vector<16xf32>,
        %swap3A_462 = arith.index_cast %scan3A_456 : i32 to index
        %swap3A_463 = arith.constant 32 : index
        %swap3A_464 = tpu.vector_load %arg7[%swap3A_462, %swap3A_463] {strides = array<i32>} : memref<8x128xf32, #tpu.memory_space<vmem>>, vector<16xf32>,
        tpu.vector_store %arg7[%swap3A_462, %swap3A_463], %broadcast_in_dim3A_29 {strides = array<i32>} : memref<8x128xf32, #tpu.memory_space<vmem>>, vector<16xf32>,
        %swap3A_465 = arith.index_cast %scan3A_456 : i32 to index
        %swap3A_466 = arith.constant 48 : index
        %swap3A_467 = tpu.vector_load %arg7[%swap3A_465, %swap3A_466] {strides = array<i32>} : memref<8x128xf32, #tpu.memory_space<vmem>>, vector<16xf32>,
        tpu.vector_store %arg7[%swap3A_465, %swap3A_466], %broadcast_in_dim3A_29 {strides = array<i32>} : memref<8x128xf32, #tpu.memory_space<vmem>>, vector<16xf32>,
        %swap3A_468 = arith.index_cast %scan3A_456 : i32 to index
        %swap3A_469 = arith.constant 64 : index
        %swap3A_470 = tpu.vector_load %arg7[%swap3A_468, %swap3A_469] {strides = array<i32>} : memref<8x128xf32, #tpu.memory_space<vmem>>, vector<16xf32>,
        tpu.vector_store %arg7[%swap3A_468, %swap3A_469], %broadcast_in_dim3A_29 {strides = array<i32>} : memref<8x128xf32, #tpu.memory_space<vmem>>, vector<16xf32>,
        %swap3A_471 = arith.index_cast %scan3A_456 : i32 to index
        %swap3A_472 = arith.constant 80 : index
        %swap3A_473 = tpu.vector_load %arg7[%swap3A_471, %swap3A_472] {strides = array<i32>} : memref<8x128xf32, #tpu.memory_space<vmem>>, vector<16xf32>,
        tpu.vector_store %arg7[%swap3A_471, %swap3A_472], %broadcast_in_dim3A_29 {strides = array<i32>} : memref<8x128xf32, #tpu.memory_space<vmem>>, vector<16xf32>,
        %swap3A_474 = arith.index_cast %scan3A_456 : i32 to index
        %swap3A_475 = arith.constant 96 : index
        %swap3A_476 = tpu.vector_load %arg7[%swap3A_474, %swap3A_475] {strides = array<i32>} : memref<8x128xf32, #tpu.memory_space<vmem>>, vector<16xf32>,
        tpu.vector_store %arg7[%swap3A_474, %swap3A_475], %broadcast_in_dim3A_29 {strides = array<i32>} : memref<8x128xf32, #tpu.memory_space<vmem>>, vector<16xf32>,
        %swap3A_477 = arith.index_cast %scan3A_456 : i32 to index
        %swap3A_478 = arith.constant 112 : index
        %swap3A_479 = tpu.vector_load %arg7[%swap3A_477, %swap3A_478] {strides = array<i32>} : memref<8x128xf32, #tpu.memory_space<vmem>>, vector<16xf32>,
        tpu.vector_store %arg7[%swap3A_477, %swap3A_478], %broadcast_in_dim3A_29 {strides = array<i32>} : memref<8x128xf32, #tpu.memory_space<vmem>>, vector<16xf32>,
      }
      %scan3A_455 = arith.constant 8 : i32
      "tpu.region"() ({
        %run_scoped3A = tpu.sem_alloc : memref<!tpu.dma_semaphore, #tpu.memory_space<semaphore_mem>>
        %dma_start3A_456 = arith.constant 16 : i32
        %dma_start3A_457 = arith.constant 0 : i32
        %dma_start3A_458 = tpu.memref_slice %arg8[%dma_start3A_456, %dma_start3A_457] : memref<24x128xf32, #tpu.memory_space<vmem_shared>> -> memref<8x128xf32, #tpu.memory_space<vmem_shared>>
        %dma_start3A_459 = arith.constant 16 : i32
        %dma_start3A_460 = arith.constant 0 : i32
        %dma_start3A_461 = tpu.memref_slice %arg8[%dma_start3A_459, %dma_start3A_460] : memref<24x128xf32, #tpu.memory_space<vmem_shared>> -> memref<8x128xf32, #tpu.memory_space<vmem_shared>>
        tpu.enqueue_dma source(%arg7 : memref<8x128xf32, #tpu.memory_space<vmem>>) target(%dma_start3A_461 : memref<8x128xf32, #tpu.memory_space<vmem_shared>>) target_semaphore(%run_scoped3A : memref<!tpu.dma_semaphore, #tpu.memory_space<semaphore_mem>>)
        %dma_wait3A_462 = arith.constant 16 : i32
        %dma_wait3A_463 = arith.constant 0 : i32
        %dma_wait3A_464 = tpu.memref_slice %arg8[%dma_wait3A_462, %dma_wait3A_463] : memref<24x128xf32, #tpu.memory_space<vmem_shared>> -> memref<8x128xf32, #tpu.memory_space<vmem_shared>>
        %dma_wait3A_465 = arith.constant 16 : i32
        %dma_wait3A_466 = arith.constant 0 : i32
        %dma_wait3A_467 = tpu.memref_slice %arg8[%dma_wait3A_465, %dma_wait3A_466] : memref<24x128xf32, #tpu.memory_space<vmem_shared>> -> memref<8x128xf32, #tpu.memory_space<vmem_shared>>
        tpu.wait_dma2 semaphore(%run_scoped3A : memref<!tpu.dma_semaphore, #tpu.memory_space<semaphore_mem>>) src(%arg7 : memref<8x128xf32, #tpu.memory_space<vmem>>) dst(%dma_wait3A_467 : memref<8x128xf32, #tpu.memory_space<vmem_shared>>)
        tpu.yield
      }) : () -> ()
    } else {
    }
    %barrier3A = arith.constant 0 : index
    tpu.barrier barrier_id(%barrier3A)
    %dma_start3A_32 = arith.constant 0 : i32
    %dma_start3A_33 = arith.constant 0 : i32
    %dma_start3A_34 = tpu.memref_slice %arg5[%dma_start3A_32, %dma_start3A_33] : memref<128x128xf32, #tpu.memory_space<vmem>> -> memref<8x128xf32, #tpu.memory_space<vmem>>
    %dma_start3A_35 = arith.constant 16 : i32
    %dma_start3A_36 = arith.constant 0 : i32
    %dma_start3A_37 = tpu.memref_slice %arg8[%dma_start3A_35, %dma_start3A_36] : memref<24x128xf32, #tpu.memory_space<vmem_shared>> -> memref<8x128xf32, #tpu.memory_space<vmem_shared>>
    %dma_start3A_38 = arith.constant 0 : i32
    %dma_start3A_39 = arith.constant 0 : i32
    %dma_start3A_40 = tpu.memref_slice %arg5[%dma_start3A_38, %dma_start3A_39] : memref<128x128xf32, #tpu.memory_space<vmem>> -> memref<8x128xf32, #tpu.memory_space<vmem>>
    %dma_start3A_41 = arith.constant 16 : i32
    %dma_start3A_42 = arith.constant 0 : i32
    %dma_start3A_43 = tpu.memref_slice %arg8[%dma_start3A_41, %dma_start3A_42] : memref<24x128xf32, #tpu.memory_space<vmem_shared>> -> memref<8x128xf32, #tpu.memory_space<vmem_shared>>
    tpu.enqueue_dma source(%dma_start3A_43 : memref<8x128xf32, #tpu.memory_space<vmem_shared>>) target(%dma_start3A_40 : memref<8x128xf32, #tpu.memory_space<vmem>>) target_semaphore(%arg10 : memref<!tpu.dma_semaphore, #tpu.memory_space<semaphore_mem>>)
    %dma_start3A_44 = arith.constant 8 : i32
    %dma_start3A_45 = arith.constant 0 : i32
    %dma_start3A_46 = tpu.memref_slice %arg5[%dma_start3A_44, %dma_start3A_45] : memref<128x128xf32, #tpu.memory_space<vmem>> -> memref<8x128xf32, #tpu.memory_space<vmem>>
    %dma_start3A_47 = arith.constant 16 : i32
    %dma_start3A_48 = arith.constant 0 : i32
    %dma_start3A_49 = tpu.memref_slice %arg8[%dma_start3A_47, %dma_start3A_48] : memref<24x128xf32, #tpu.memory_space<vmem_shared>> -> memref<8x128xf32, #tpu.memory_space<vmem_shared>>
    %dma_start3A_50 = arith.constant 8 : i32
    %dma_start3A_51 = arith.constant 0 : i32
    %dma_start3A_52 = tpu.memref_slice %arg5[%dma_start3A_50, %dma_start3A_51] : memref<128x128xf32, #tpu.memory_space<vmem>> -> memref<8x128xf32, #tpu.memory_space<vmem>>
    %dma_start3A_53 = arith.constant 16 : i32
    %dma_start3A_54 = arith.constant 0 : i32
    %dma_start3A_55 = tpu.memref_slice %arg8[%dma_start3A_53, %dma_start3A_54] : memref<24x128xf32, #tpu.memory_space<vmem_shared>> -> memref<8x128xf32, #tpu.memory_space<vmem_shared>>
    tpu.enqueue_dma source(%dma_start3A_55 : memref<8x128xf32, #tpu.memory_space<vmem_shared>>) target(%dma_start3A_52 : memref<8x128xf32, #tpu.memory_space<vmem>>) target_semaphore(%arg10 : memref<!tpu.dma_semaphore, #tpu.memory_space<semaphore_mem>>)
    %dma_start3A_56 = arith.constant 16 : i32
    %dma_start3A_57 = arith.constant 0 : i32
    %dma_start3A_58 = tpu.memref_slice %arg5[%dma_start3A_56, %dma_start3A_57] : memref<128x128xf32, #tpu.memory_space<vmem>> -> memref<8x128xf32, #tpu.memory_space<vmem>>
    %dma_start3A_59 = arith.constant 16 : i32
    %dma_start3A_60 = arith.constant 0 : i32
    %dma_start3A_61 = tpu.memref_slice %arg8[%dma_start3A_59, %dma_start3A_60] : memref<24x128xf32, #tpu.memory_space<vmem_shared>> -> memref<8x128xf32, #tpu.memory_space<vmem_shared>>
    %dma_start3A_62 = arith.constant 16 : i32
    %dma_start3A_63 = arith.constant 0 : i32
    %dma_start3A_64 = tpu.memref_slice %arg5[%dma_start3A_62, %dma_start3A_63] : memref<128x128xf32, #tpu.memory_space<vmem>> -> memref<8x128xf32, #tpu.memory_space<vmem>>
    %dma_start3A_65 = arith.constant 16 : i32
    %dma_start3A_66 = arith.constant 0 : i32
    %dma_start3A_67 = tpu.memref_slice %arg8[%dma_start3A_65, %dma_start3A_66] : memref<24x128xf32, #tpu.memory_space<vmem_shared>> -> memref<8x128xf32, #tpu.memory_space<vmem_shared>>
    tpu.enqueue_dma source(%dma_start3A_67 : memref<8x128xf32, #tpu.memory_space<vmem_shared>>) target(%dma_start3A_64 : memref<8x128xf32, #tpu.memory_space<vmem>>) target_semaphore(%arg10 : memref<!tpu.dma_semaphore, #tpu.memory_space<semaphore_mem>>)
    %dma_start3A_68 = arith.constant 24 : i32
    %dma_start3A_69 = arith.constant 0 : i32
    %dma_start3A_70 = tpu.memref_slice %arg5[%dma_start3A_68, %dma_start3A_69] : memref<128x128xf32, #tpu.memory_space<vmem>> -> memref<8x128xf32, #tpu.memory_space<vmem>>
    %dma_start3A_71 = arith.constant 16 : i32
    %dma_start3A_72 = arith.constant 0 : i32
    %dma_start3A_73 = tpu.memref_slice %arg8[%dma_start3A_71, %dma_start3A_72] : memref<24x128xf32, #tpu.memory_space<vmem_shared>> -> memref<8x128xf32, #tpu.memory_space<vmem_shared>>
    %dma_start3A_74 = arith.constant 24 : i32
    %dma_start3A_75 = arith.constant 0 : i32
    %dma_start3A_76 = tpu.memref_slice %arg5[%dma_start3A_74, %dma_start3A_75] : memref<128x128xf32, #tpu.memory_space<vmem>> -> memref<8x128xf32, #tpu.memory_space<vmem>>
    %dma_start3A_77 = arith.constant 16 : i32
    %dma_start3A_78 = arith.constant 0 : i32
    %dma_start3A_79 = tpu.memref_slice %arg8[%dma_start3A_77, %dma_start3A_78] : memref<24x128xf32, #tpu.memory_space<vmem_shared>> -> memref<8x128xf32, #tpu.memory_space<vmem_shared>>
    tpu.enqueue_dma source(%dma_start3A_79 : memref<8x128xf32, #tpu.memory_space<vmem_shared>>) target(%dma_start3A_76 : memref<8x128xf32, #tpu.memory_space<vmem>>) target_semaphore(%arg10 : memref<!tpu.dma_semaphore, #tpu.memory_space<semaphore_mem>>)
    %dma_start3A_80 = arith.constant 32 : i32
    %dma_start3A_81 = arith.constant 0 : i32
    %dma_start3A_82 = tpu.memref_slice %arg5[%dma_start3A_80, %dma_start3A_81] : memref<128x128xf32, #tpu.memory_space<vmem>> -> memref<8x128xf32, #tpu.memory_space<vmem>>
    %dma_start3A_83 = arith.constant 16 : i32
    %dma_start3A_84 = arith.constant 0 : i32
    %dma_start3A_85 = tpu.memref_slice %arg8[%dma_start3A_83, %dma_start3A_84] : memref<24x128xf32, #tpu.memory_space<vmem_shared>> -> memref<8x128xf32, #tpu.memory_space<vmem_shared>>
    %dma_start3A_86 = arith.constant 32 : i32
    %dma_start3A_87 = arith.constant 0 : i32
    %dma_start3A_88 = tpu.memref_slice %arg5[%dma_start3A_86, %dma_start3A_87] : memref<128x128xf32, #tpu.memory_space<vmem>> -> memref<8x128xf32, #tpu.memory_space<vmem>>
    %dma_start3A_89 = arith.constant 16 : i32
    %dma_start3A_90 = arith.constant 0 : i32
    %dma_start3A_91 = tpu.memref_slice %arg8[%dma_start3A_89, %dma_start3A_90] : memref<24x128xf32, #tpu.memory_space<vmem_shared>> -> memref<8x128xf32, #tpu.memory_space<vmem_shared>>
    tpu.enqueue_dma source(%dma_start3A_91 : memref<8x128xf32, #tpu.memory_space<vmem_shared>>) target(%dma_start3A_88 : memref<8x128xf32, #tpu.memory_space<vmem>>) target_semaphore(%arg10 : memref<!tpu.dma_semaphore, #tpu.memory_space<semaphore_mem>>)
    %dma_start3A_92 = arith.constant 40 : i32
    %dma_start3A_93 = arith.constant 0 : i32
    %dma_start3A_94 = tpu.memref_slice %arg5[%dma_start3A_92, %dma_start3A_93] : memref<128x128xf32, #tpu.memory_space<vmem>> -> memref<8x128xf32, #tpu.memory_space<vmem>>
    %dma_start3A_95 = arith.constant 16 : i32
    %dma_start3A_96 = arith.constant 0 : i32
    %dma_start3A_97 = tpu.memref_slice %arg8[%dma_start3A_95, %dma_start3A_96] : memref<24x128xf32, #tpu.memory_space<vmem_shared>> -> memref<8x128xf32, #tpu.memory_space<vmem_shared>>
    %dma_start3A_98 = arith.constant 40 : i32
    %dma_start3A_99 = arith.constant 0 : i32
    %dma_start3A_100 = tpu.memref_slice %arg5[%dma_start3A_98, %dma_start3A_99] : memref<128x128xf32, #tpu.memory_space<vmem>> -> memref<8x128xf32, #tpu.memory_space<vmem>>
    %dma_start3A_101 = arith.constant 16 : i32
    %dma_start3A_102 = arith.constant 0 : i32
    %dma_start3A_103 = tpu.memref_slice %arg8[%dma_start3A_101, %dma_start3A_102] : memref<24x128xf32, #tpu.memory_space<vmem_shared>> -> memref<8x128xf32, #tpu.memory_space<vmem_shared>>
    tpu.enqueue_dma source(%dma_start3A_103 : memref<8x128xf32, #tpu.memory_space<vmem_shared>>) target(%dma_start3A_100 : memref<8x128xf32, #tpu.memory_space<vmem>>) target_semaphore(%arg10 : memref<!tpu.dma_semaphore, #tpu.memory_space<semaphore_mem>>)
    %dma_start3A_104 = arith.constant 48 : i32
    %dma_start3A_105 = arith.constant 0 : i32
    %dma_start3A_106 = tpu.memref_slice %arg5[%dma_start3A_104, %dma_start3A_105] : memref<128x128xf32, #tpu.memory_space<vmem>> -> memref<8x128xf32, #tpu.memory_space<vmem>>
    %dma_start3A_107 = arith.constant 16 : i32
    %dma_start3A_108 = arith.constant 0 : i32
    %dma_start3A_109 = tpu.memref_slice %arg8[%dma_start3A_107, %dma_start3A_108] : memref<24x128xf32, #tpu.memory_space<vmem_shared>> -> memref<8x128xf32, #tpu.memory_space<vmem_shared>>
    %dma_start3A_110 = arith.constant 48 : i32
    %dma_start3A_111 = arith.constant 0 : i32
    %dma_start3A_112 = tpu.memref_slice %arg5[%dma_start3A_110, %dma_start3A_111] : memref<128x128xf32, #tpu.memory_space<vmem>> -> memref<8x128xf32, #tpu.memory_space<vmem>>
    %dma_start3A_113 = arith.constant 16 : i32
    %dma_start3A_114 = arith.constant 0 : i32
    %dma_start3A_115 = tpu.memref_slice %arg8[%dma_start3A_113, %dma_start3A_114] : memref<24x128xf32, #tpu.memory_space<vmem_shared>> -> memref<8x128xf32, #tpu.memory_space<vmem_shared>>
    tpu.enqueue_dma source(%dma_start3A_115 : memref<8x128xf32, #tpu.memory_space<vmem_shared>>) target(%dma_start3A_112 : memref<8x128xf32, #tpu.memory_space<vmem>>) target_semaphore(%arg10 : memref<!tpu.dma_semaphore, #tpu.memory_space<semaphore_mem>>)
    %dma_start3A_116 = arith.constant 56 : i32
    %dma_start3A_117 = arith.constant 0 : i32
    %dma_start3A_118 = tpu.memref_slice %arg5[%dma_start3A_116, %dma_start3A_117] : memref<128x128xf32, #tpu.memory_space<vmem>> -> memref<8x128xf32, #tpu.memory_space<vmem>>
    %dma_start3A_119 = arith.constant 16 : i32
    %dma_start3A_120 = arith.constant 0 : i32
    %dma_start3A_121 = tpu.memref_slice %arg8[%dma_start3A_119, %dma_start3A_120] : memref<24x128xf32, #tpu.memory_space<vmem_shared>> -> memref<8x128xf32, #tpu.memory_space<vmem_shared>>
    %dma_start3A_122 = arith.constant 56 : i32
    %dma_start3A_123 = arith.constant 0 : i32
    %dma_start3A_124 = tpu.memref_slice %arg5[%dma_start3A_122, %dma_start3A_123] : memref<128x128xf32, #tpu.memory_space<vmem>> -> memref<8x128xf32, #tpu.memory_space<vmem>>
    %dma_start3A_125 = arith.constant 16 : i32
    %dma_start3A_126 = arith.constant 0 : i32
    %dma_start3A_127 = tpu.memref_slice %arg8[%dma_start3A_125, %dma_start3A_126] : memref<24x128xf32, #tpu.memory_space<vmem_shared>> -> memref<8x128xf32, #tpu.memory_space<vmem_shared>>
    tpu.enqueue_dma source(%dma_start3A_127 : memref<8x128xf32, #tpu.memory_space<vmem_shared>>) target(%dma_start3A_124 : memref<8x128xf32, #tpu.memory_space<vmem>>) target_semaphore(%arg10 : memref<!tpu.dma_semaphore, #tpu.memory_space<semaphore_mem>>)
    %dma_start3A_128 = arith.constant 64 : i32
    %dma_start3A_129 = arith.constant 0 : i32
    %dma_start3A_130 = tpu.memref_slice %arg5[%dma_start3A_128, %dma_start3A_129] : memref<128x128xf32, #tpu.memory_space<vmem>> -> memref<8x128xf32, #tpu.memory_space<vmem>>
    %dma_start3A_131 = arith.constant 16 : i32
    %dma_start3A_132 = arith.constant 0 : i32
    %dma_start3A_133 = tpu.memref_slice %arg8[%dma_start3A_131, %dma_start3A_132] : memref<24x128xf32, #tpu.memory_space<vmem_shared>> -> memref<8x128xf32, #tpu.memory_space<vmem_shared>>
    %dma_start3A_134 = arith.constant 64 : i32
    %dma_start3A_135 = arith.constant 0 : i32
    %dma_start3A_136 = tpu.memref_slice %arg5[%dma_start3A_134, %dma_start3A_135] : memref<128x128xf32, #tpu.memory_space<vmem>> -> memref<8x128xf32, #tpu.memory_space<vmem>>
    %dma_start3A_137 = arith.constant 16 : i32
    %dma_start3A_138 = arith.constant 0 : i32
    %dma_start3A_139 = tpu.memref_slice %arg8[%dma_start3A_137, %dma_start3A_138] : memref<24x128xf32, #tpu.memory_space<vmem_shared>> -> memref<8x128xf32, #tpu.memory_space<vmem_shared>>
    tpu.enqueue_dma source(%dma_start3A_139 : memref<8x128xf32, #tpu.memory_space<vmem_shared>>) target(%dma_start3A_136 : memref<8x128xf32, #tpu.memory_space<vmem>>) target_semaphore(%arg10 : memref<!tpu.dma_semaphore, #tpu.memory_space<semaphore_mem>>)
    %dma_start3A_140 = arith.constant 72 : i32
    %dma_start3A_141 = arith.constant 0 : i32
    %dma_start3A_142 = tpu.memref_slice %arg5[%dma_start3A_140, %dma_start3A_141] : memref<128x128xf32, #tpu.memory_space<vmem>> -> memref<8x128xf32, #tpu.memory_space<vmem>>
    %dma_start3A_143 = arith.constant 16 : i32
    %dma_start3A_144 = arith.constant 0 : i32
    %dma_start3A_145 = tpu.memref_slice %arg8[%dma_start3A_143, %dma_start3A_144] : memref<24x128xf32, #tpu.memory_space<vmem_shared>> -> memref<8x128xf32, #tpu.memory_space<vmem_shared>>
    %dma_start3A_146 = arith.constant 72 : i32
    %dma_start3A_147 = arith.constant 0 : i32
    %dma_start3A_148 = tpu.memref_slice %arg5[%dma_start3A_146, %dma_start3A_147] : memref<128x128xf32, #tpu.memory_space<vmem>> -> memref<8x128xf32, #tpu.memory_space<vmem>>
    %dma_start3A_149 = arith.constant 16 : i32
    %dma_start3A_150 = arith.constant 0 : i32
    %dma_start3A_151 = tpu.memref_slice %arg8[%dma_start3A_149, %dma_start3A_150] : memref<24x128xf32, #tpu.memory_space<vmem_shared>> -> memref<8x128xf32, #tpu.memory_space<vmem_shared>>
    tpu.enqueue_dma source(%dma_start3A_151 : memref<8x128xf32, #tpu.memory_space<vmem_shared>>) target(%dma_start3A_148 : memref<8x128xf32, #tpu.memory_space<vmem>>) target_semaphore(%arg10 : memref<!tpu.dma_semaphore, #tpu.memory_space<semaphore_mem>>)
    %dma_start3A_152 = arith.constant 80 : i32
    %dma_start3A_153 = arith.constant 0 : i32
    %dma_start3A_154 = tpu.memref_slice %arg5[%dma_start3A_152, %dma_start3A_153] : memref<128x128xf32, #tpu.memory_space<vmem>> -> memref<8x128xf32, #tpu.memory_space<vmem>>
    %dma_start3A_155 = arith.constant 16 : i32
    %dma_start3A_156 = arith.constant 0 : i32
    %dma_start3A_157 = tpu.memref_slice %arg8[%dma_start3A_155, %dma_start3A_156] : memref<24x128xf32, #tpu.memory_space<vmem_shared>> -> memref<8x128xf32, #tpu.memory_space<vmem_shared>>
    %dma_start3A_158 = arith.constant 80 : i32
    %dma_start3A_159 = arith.constant 0 : i32
    %dma_start3A_160 = tpu.memref_slice %arg5[%dma_start3A_158, %dma_start3A_159] : memref<128x128xf32, #tpu.memory_space<vmem>> -> memref<8x128xf32, #tpu.memory_space<vmem>>
    %dma_start3A_161 = arith.constant 16 : i32
    %dma_start3A_162 = arith.constant 0 : i32
    %dma_start3A_163 = tpu.memref_slice %arg8[%dma_start3A_161, %dma_start3A_162] : memref<24x128xf32, #tpu.memory_space<vmem_shared>> -> memref<8x128xf32, #tpu.memory_space<vmem_shared>>
    tpu.enqueue_dma source(%dma_start3A_163 : memref<8x128xf32, #tpu.memory_space<vmem_shared>>) target(%dma_start3A_160 : memref<8x128xf32, #tpu.memory_space<vmem>>) target_semaphore(%arg10 : memref<!tpu.dma_semaphore, #tpu.memory_space<semaphore_mem>>)
    %dma_start3A_164 = arith.constant 88 : i32
    %dma_start3A_165 = arith.constant 0 : i32
    %dma_start3A_166 = tpu.memref_slice %arg5[%dma_start3A_164, %dma_start3A_165] : memref<128x128xf32, #tpu.memory_space<vmem>> -> memref<8x128xf32, #tpu.memory_space<vmem>>
    %dma_start3A_167 = arith.constant 16 : i32
    %dma_start3A_168 = arith.constant 0 : i32
    %dma_start3A_169 = tpu.memref_slice %arg8[%dma_start3A_167, %dma_start3A_168] : memref<24x128xf32, #tpu.memory_space<vmem_shared>> -> memref<8x128xf32, #tpu.memory_space<vmem_shared>>
    %dma_start3A_170 = arith.constant 88 : i32
    %dma_start3A_171 = arith.constant 0 : i32
    %dma_start3A_172 = tpu.memref_slice %arg5[%dma_start3A_170, %dma_start3A_171] : memref<128x128xf32, #tpu.memory_space<vmem>> -> memref<8x128xf32, #tpu.memory_space<vmem>>
    %dma_start3A_173 = arith.constant 16 : i32
    %dma_start3A_174 = arith.constant 0 : i32
    %dma_start3A_175 = tpu.memref_slice %arg8[%dma_start3A_173, %dma_start3A_174] : memref<24x128xf32, #tpu.memory_space<vmem_shared>> -> memref<8x128xf32, #tpu.memory_space<vmem_shared>>
    tpu.enqueue_dma source(%dma_start3A_175 : memref<8x128xf32, #tpu.memory_space<vmem_shared>>) target(%dma_start3A_172 : memref<8x128xf32, #tpu.memory_space<vmem>>) target_semaphore(%arg10 : memref<!tpu.dma_semaphore, #tpu.memory_space<semaphore_mem>>)
    %dma_start3A_176 = arith.constant 96 : i32
    %dma_start3A_177 = arith.constant 0 : i32
    %dma_start3A_178 = tpu.memref_slice %arg5[%dma_start3A_176, %dma_start3A_177] : memref<128x128xf32, #tpu.memory_space<vmem>> -> memref<8x128xf32, #tpu.memory_space<vmem>>
    %dma_start3A_179 = arith.constant 16 : i32
    %dma_start3A_180 = arith.constant 0 : i32
    %dma_start3A_181 = tpu.memref_slice %arg8[%dma_start3A_179, %dma_start3A_180] : memref<24x128xf32, #tpu.memory_space<vmem_shared>> -> memref<8x128xf32, #tpu.memory_space<vmem_shared>>
    %dma_start3A_182 = arith.constant 96 : i32
    %dma_start3A_183 = arith.constant 0 : i32
    %dma_start3A_184 = tpu.memref_slice %arg5[%dma_start3A_182, %dma_start3A_183] : memref<128x128xf32, #tpu.memory_space<vmem>> -> memref<8x128xf32, #tpu.memory_space<vmem>>
    %dma_start3A_185 = arith.constant 16 : i32
    %dma_start3A_186 = arith.constant 0 : i32
    %dma_start3A_187 = tpu.memref_slice %arg8[%dma_start3A_185, %dma_start3A_186] : memref<24x128xf32, #tpu.memory_space<vmem_shared>> -> memref<8x128xf32, #tpu.memory_space<vmem_shared>>
    tpu.enqueue_dma source(%dma_start3A_187 : memref<8x128xf32, #tpu.memory_space<vmem_shared>>) target(%dma_start3A_184 : memref<8x128xf32, #tpu.memory_space<vmem>>) target_semaphore(%arg10 : memref<!tpu.dma_semaphore, #tpu.memory_space<semaphore_mem>>)
    %dma_start3A_188 = arith.constant 104 : i32
    %dma_start3A_189 = arith.constant 0 : i32
    %dma_start3A_190 = tpu.memref_slice %arg5[%dma_start3A_188, %dma_start3A_189] : memref<128x128xf32, #tpu.memory_space<vmem>> -> memref<8x128xf32, #tpu.memory_space<vmem>>
    %dma_start3A_191 = arith.constant 16 : i32
    %dma_start3A_192 = arith.constant 0 : i32
    %dma_start3A_193 = tpu.memref_slice %arg8[%dma_start3A_191, %dma_start3A_192] : memref<24x128xf32, #tpu.memory_space<vmem_shared>> -> memref<8x128xf32, #tpu.memory_space<vmem_shared>>
    %dma_start3A_194 = arith.constant 104 : i32
    %dma_start3A_195 = arith.constant 0 : i32
    %dma_start3A_196 = tpu.memref_slice %arg5[%dma_start3A_194, %dma_start3A_195] : memref<128x128xf32, #tpu.memory_space<vmem>> -> memref<8x128xf32, #tpu.memory_space<vmem>>
    %dma_start3A_197 = arith.constant 16 : i32
    %dma_start3A_198 = arith.constant 0 : i32
    %dma_start3A_199 = tpu.memref_slice %arg8[%dma_start3A_197, %dma_start3A_198] : memref<24x128xf32, #tpu.memory_space<vmem_shared>> -> memref<8x128xf32, #tpu.memory_space<vmem_shared>>
    tpu.enqueue_dma source(%dma_start3A_199 : memref<8x128xf32, #tpu.memory_space<vmem_shared>>) target(%dma_start3A_196 : memref<8x128xf32, #tpu.memory_space<vmem>>) target_semaphore(%arg10 : memref<!tpu.dma_semaphore, #tpu.memory_space<semaphore_mem>>)
    %dma_start3A_200 = arith.constant 112 : i32
    %dma_start3A_201 = arith.constant 0 : i32
    %dma_start3A_202 = tpu.memref_slice %arg5[%dma_start3A_200, %dma_start3A_201] : memref<128x128xf32, #tpu.memory_space<vmem>> -> memref<8x128xf32, #tpu.memory_space<vmem>>
    %dma_start3A_203 = arith.constant 16 : i32
    %dma_start3A_204 = arith.constant 0 : i32
    %dma_start3A_205 = tpu.memref_slice %arg8[%dma_start3A_203, %dma_start3A_204] : memref<24x128xf32, #tpu.memory_space<vmem_shared>> -> memref<8x128xf32, #tpu.memory_space<vmem_shared>>
    %dma_start3A_206 = arith.constant 112 : i32
    %dma_start3A_207 = arith.constant 0 : i32
    %dma_start3A_208 = tpu.memref_slice %arg5[%dma_start3A_206, %dma_start3A_207] : memref<128x128xf32, #tpu.memory_space<vmem>> -> memref<8x128xf32, #tpu.memory_space<vmem>>
    %dma_start3A_209 = arith.constant 16 : i32
    %dma_start3A_210 = arith.constant 0 : i32
    %dma_start3A_211 = tpu.memref_slice %arg8[%dma_start3A_209, %dma_start3A_210] : memref<24x128xf32, #tpu.memory_space<vmem_shared>> -> memref<8x128xf32, #tpu.memory_space<vmem_shared>>
    tpu.enqueue_dma source(%dma_start3A_211 : memref<8x128xf32, #tpu.memory_space<vmem_shared>>) target(%dma_start3A_208 : memref<8x128xf32, #tpu.memory_space<vmem>>) target_semaphore(%arg10 : memref<!tpu.dma_semaphore, #tpu.memory_space<semaphore_mem>>)
    %dma_start3A_212 = arith.constant 120 : i32
    %dma_start3A_213 = arith.constant 0 : i32
    %dma_start3A_214 = tpu.memref_slice %arg5[%dma_start3A_212, %dma_start3A_213] : memref<128x128xf32, #tpu.memory_space<vmem>> -> memref<8x128xf32, #tpu.memory_space<vmem>>
    %dma_start3A_215 = arith.constant 16 : i32
    %dma_start3A_216 = arith.constant 0 : i32
    %dma_start3A_217 = tpu.memref_slice %arg8[%dma_start3A_215, %dma_start3A_216] : memref<24x128xf32, #tpu.memory_space<vmem_shared>> -> memref<8x128xf32, #tpu.memory_space<vmem_shared>>
    %dma_start3A_218 = arith.constant 120 : i32
    %dma_start3A_219 = arith.constant 0 : i32
    %dma_start3A_220 = tpu.memref_slice %arg5[%dma_start3A_218, %dma_start3A_219] : memref<128x128xf32, #tpu.memory_space<vmem>> -> memref<8x128xf32, #tpu.memory_space<vmem>>
    %dma_start3A_221 = arith.constant 16 : i32
    %dma_start3A_222 = arith.constant 0 : i32
    %dma_start3A_223 = tpu.memref_slice %arg8[%dma_start3A_221, %dma_start3A_222] : memref<24x128xf32, #tpu.memory_space<vmem_shared>> -> memref<8x128xf32, #tpu.memory_space<vmem_shared>>
    tpu.enqueue_dma source(%dma_start3A_223 : memref<8x128xf32, #tpu.memory_space<vmem_shared>>) target(%dma_start3A_220 : memref<8x128xf32, #tpu.memory_space<vmem>>) target_semaphore(%arg10 : memref<!tpu.dma_semaphore, #tpu.memory_space<semaphore_mem>>)
    %dma_wait3A = arith.constant 0 : i32
    %dma_wait3A_224 = arith.constant 0 : i32
    %dma_wait3A_225 = tpu.memref_slice %arg2[%dma_wait3A, %sub3A_17, %dma_wait3A_224, %mul3A_21] : memref<3x224x224x512xf32, #tpu.memory_space<hbm>> -> memref<3x1x8x128xf32, #tpu.memory_space<hbm>>
    %dma_wait3A_226 = tpu.memref_squeeze %dma_wait3A_225 : memref<3x1x8x128xf32, #tpu.memory_space<hbm>> -> memref<3x8x128xf32, #tpu.memory_space<hbm>>
    %dma_wait3A_227 = arith.constant 0 : i32
    %dma_wait3A_228 = arith.constant 0 : i32
    %dma_wait3A_229 = tpu.memref_slice %arg2[%dma_wait3A_227, %sub3A_17, %dma_wait3A_228, %mul3A_21] : memref<3x224x224x512xf32, #tpu.memory_space<hbm>> -> memref<3x1x8x128xf32, #tpu.memory_space<hbm>>
    %dma_wait3A_230 = tpu.memref_squeeze %dma_wait3A_229 : memref<3x1x8x128xf32, #tpu.memory_space<hbm>> -> memref<3x8x128xf32, #tpu.memory_space<hbm>>
    tpu.wait_dma2 semaphore(%arg9 : memref<!tpu.dma_semaphore, #tpu.memory_space<semaphore_mem>>) src(%dma_wait3A_230 : memref<3x8x128xf32, #tpu.memory_space<hbm>>) dst(%arg4 : memref<3x8x128xf32, #tpu.memory_space<vmem>>)
    %scan3A = arith.constant 0 : i32
    %scan3A_231 = arith.constant 0 : i32
    %scan3A_232 = arith.constant 8 : i32
    %scan3A_233 = arith.addi %scan3A_231, %scan3A_232 : i32
    %scan3A_234 = arith.constant 1 : i32
    scf.for %scan3A_450 = %scan3A_231 to %scan3A_233 step %scan3A_234  : i32 {
      %mul3A_451 = arith.constant 16 : i32
      %mul3A_452 = arith.muli %scan3A_450, %mul3A_451 : i32
      %multiple_of3A = tpu.assume_multiple %mul3A_452, 16 : i32
      %scan3A_453 = arith.constant 0 : i32
      %scan3A_454 = arith.constant 3 : i32
      %scan3A_455 = arith.addi %scan3A_453, %scan3A_454 : i32
      %scan3A_456 = arith.constant 1 : i32
      %scan3A_457 = scf.for %scan3A_460 = %scan3A_453 to %scan3A_455 step %scan3A_456 iter_args(%scan3A_461 = %broadcast_in_dim3A_29) -> (vector<16xf32>)  : i32 {
        %scan3A_462 = arith.constant 0 : i32
        %scan3A_463 = arith.constant 8 : i32
        %scan3A_464 = arith.addi %scan3A_462, %scan3A_463 : i32
        %scan3A_465 = arith.constant 1 : i32
        %scan3A_466 = scf.for %scan3A_468 = %scan3A_462 to %scan3A_464 step %scan3A_465 iter_args(%scan3A_469 = %scan3A_461) -> (vector<16xf32>)  : i32 {
          %get3A = arith.index_cast %scan3A_460 : i32 to index
          %get3A_470 = arith.index_cast %scan3A_468 : i32 to index
          %get3A_471 = arith.index_cast %multiple_of3A : i32 to index
          %get3A_472 = tpu.vector_load %arg4[%get3A, %get3A_470, %get3A_471] {strides = array<i32>} : memref<3x8x128xf32, #tpu.memory_space<vmem>>, vector<16xf32>,
          %add3A_473 = arith.addf %scan3A_469, %get3A_472 : vector<16xf32>
          scf.yield %add3A_473 : vector<16xf32>
        }
        %scan3A_467 = arith.constant 8 : i32
        scf.yield %scan3A_466 : vector<16xf32>
      }
      %scan3A_458 = arith.constant 3 : i32
      %swap3A = arith.index_cast %multiple_of3A : i32 to index
      %swap3A_459 = tpu.vector_load %arg6[%swap3A] {strides = array<i32>} : memref<128xf32, #tpu.memory_space<vmem>>, vector<16xf32>,
      tpu.vector_store %arg6[%swap3A], %scan3A_457 {strides = array<i32>} : memref<128xf32, #tpu.memory_space<vmem>>, vector<16xf32>,
    }
    %scan3A_235 = arith.constant 8 : i32
    "tpu.region"() ({
      %run_scoped3A = tpu.sem_alloc : memref<!tpu.dma_semaphore, #tpu.memory_space<semaphore_mem>>
      %dma_start3A_450 = arith.constant 0 : i32
      %dma_start3A_451 = tpu.memref_slice %arg8[%arg1, %dma_start3A_450] : memref<24x128xf32, #tpu.memory_space<vmem_shared>> -> memref<1x128xf32, #tpu.memory_space<vmem_shared>>
      %dma_start3A_452 = tpu.memref_squeeze %dma_start3A_451 : memref<1x128xf32, #tpu.memory_space<vmem_shared>> -> memref<128xf32, #tpu.memory_space<vmem_shared>>
      %dma_start3A_453 = arith.constant 0 : i32
      %dma_start3A_454 = tpu.memref_slice %arg8[%arg1, %dma_start3A_453] : memref<24x128xf32, #tpu.memory_space<vmem_shared>> -> memref<1x128xf32, #tpu.memory_space<vmem_shared>>
      %dma_start3A_455 = tpu.memref_squeeze %dma_start3A_454 : memref<1x128xf32, #tpu.memory_space<vmem_shared>> -> memref<128xf32, #tpu.memory_space<vmem_shared>>
      tpu.enqueue_dma source(%arg6 : memref<128xf32, #tpu.memory_space<vmem>>) target(%dma_start3A_455 : memref<128xf32, #tpu.memory_space<vmem_shared>>) target_semaphore(%run_scoped3A : memref<!tpu.dma_semaphore, #tpu.memory_space<semaphore_mem>>)
      %dma_wait3A_456 = arith.constant 0 : i32
      %dma_wait3A_457 = tpu.memref_slice %arg8[%arg1, %dma_wait3A_456] : memref<24x128xf32, #tpu.memory_space<vmem_shared>> -> memref<1x128xf32, #tpu.memory_space<vmem_shared>>
      %dma_wait3A_458 = tpu.memref_squeeze %dma_wait3A_457 : memref<1x128xf32, #tpu.memory_space<vmem_shared>> -> memref<128xf32, #tpu.memory_space<vmem_shared>>
      %dma_wait3A_459 = arith.constant 0 : i32
      %dma_wait3A_460 = tpu.memref_slice %arg8[%arg1, %dma_wait3A_459] : memref<24x128xf32, #tpu.memory_space<vmem_shared>> -> memref<1x128xf32, #tpu.memory_space<vmem_shared>>
      %dma_wait3A_461 = tpu.memref_squeeze %dma_wait3A_460 : memref<1x128xf32, #tpu.memory_space<vmem_shared>> -> memref<128xf32, #tpu.memory_space<vmem_shared>>
      tpu.wait_dma2 semaphore(%run_scoped3A : memref<!tpu.dma_semaphore, #tpu.memory_space<semaphore_mem>>) src(%arg6 : memref<128xf32, #tpu.memory_space<vmem>>) dst(%dma_wait3A_461 : memref<128xf32, #tpu.memory_space<vmem_shared>>)
      tpu.yield
    }) : () -> ()
    %barrier3A_236 = arith.constant 0 : index
    tpu.barrier barrier_id(%barrier3A_236)
    %mul3A_237 = arith.constant 8 : i32
    %mul3A_238 = arith.muli %select_n3A, %mul3A_237 : i32
    "tpu.region"() ({
      %run_scoped3A = tpu.sem_alloc : memref<!tpu.dma_semaphore, #tpu.memory_space<semaphore_mem>>
      %dma_start3A_450 = arith.constant 0 : i32
      %dma_start3A_451 = tpu.memref_slice %arg8[%mul3A_238, %dma_start3A_450] : memref<24x128xf32, #tpu.memory_space<vmem_shared>> -> memref<8x128xf32, #tpu.memory_space<vmem_shared>>
      %dma_start3A_452 = arith.constant 0 : i32
      %dma_start3A_453 = tpu.memref_slice %arg8[%mul3A_238, %dma_start3A_452] : memref<24x128xf32, #tpu.memory_space<vmem_shared>> -> memref<8x128xf32, #tpu.memory_space<vmem_shared>>
      tpu.enqueue_dma source(%dma_start3A_453 : memref<8x128xf32, #tpu.memory_space<vmem_shared>>) target(%arg7 : memref<8x128xf32, #tpu.memory_space<vmem>>) target_semaphore(%run_scoped3A : memref<!tpu.dma_semaphore, #tpu.memory_space<semaphore_mem>>)
      %dma_wait3A_454 = arith.constant 0 : i32
      %dma_wait3A_455 = tpu.memref_slice %arg8[%mul3A_238, %dma_wait3A_454] : memref<24x128xf32, #tpu.memory_space<vmem_shared>> -> memref<8x128xf32, #tpu.memory_space<vmem_shared>>
      %dma_wait3A_456 = arith.constant 0 : i32
      %dma_wait3A_457 = tpu.memref_slice %arg8[%mul3A_238, %dma_wait3A_456] : memref<24x128xf32, #tpu.memory_space<vmem_shared>> -> memref<8x128xf32, #tpu.memory_space<vmem_shared>>
      tpu.wait_dma2 semaphore(%run_scoped3A : memref<!tpu.dma_semaphore, #tpu.memory_space<semaphore_mem>>) src(%dma_wait3A_457 : memref<8x128xf32, #tpu.memory_space<vmem_shared>>) dst(%arg7 : memref<8x128xf32, #tpu.memory_space<vmem>>)
      tpu.yield
    }) : () -> ()
    %dma_wait3A_239 = arith.constant 0 : i32
    %dma_wait3A_240 = arith.constant 0 : i32
    %dma_wait3A_241 = tpu.memref_slice %arg5[%dma_wait3A_239, %dma_wait3A_240] : memref<128x128xf32, #tpu.memory_space<vmem>> -> memref<8x128xf32, #tpu.memory_space<vmem>>
    %dma_wait3A_242 = arith.constant 16 : i32
    %dma_wait3A_243 = arith.constant 0 : i32
    %dma_wait3A_244 = tpu.memref_slice %arg8[%dma_wait3A_242, %dma_wait3A_243] : memref<24x128xf32, #tpu.memory_space<vmem_shared>> -> memref<8x128xf32, #tpu.memory_space<vmem_shared>>
    %dma_wait3A_245 = arith.constant 0 : i32
    %dma_wait3A_246 = arith.constant 0 : i32
    %dma_wait3A_247 = tpu.memref_slice %arg5[%dma_wait3A_245, %dma_wait3A_246] : memref<128x128xf32, #tpu.memory_space<vmem>> -> memref<8x128xf32, #tpu.memory_space<vmem>>
    %dma_wait3A_248 = arith.constant 16 : i32
    %dma_wait3A_249 = arith.constant 0 : i32
    %dma_wait3A_250 = tpu.memref_slice %arg8[%dma_wait3A_248, %dma_wait3A_249] : memref<24x128xf32, #tpu.memory_space<vmem_shared>> -> memref<8x128xf32, #tpu.memory_space<vmem_shared>>
    tpu.wait_dma2 semaphore(%arg10 : memref<!tpu.dma_semaphore, #tpu.memory_space<semaphore_mem>>) src(%dma_wait3A_250 : memref<8x128xf32, #tpu.memory_space<vmem_shared>>) dst(%dma_wait3A_247 : memref<8x128xf32, #tpu.memory_space<vmem>>)
    %dma_wait3A_251 = arith.constant 8 : i32
    %dma_wait3A_252 = arith.constant 0 : i32
    %dma_wait3A_253 = tpu.memref_slice %arg5[%dma_wait3A_251, %dma_wait3A_252] : memref<128x128xf32, #tpu.memory_space<vmem>> -> memref<8x128xf32, #tpu.memory_space<vmem>>
    %dma_wait3A_254 = arith.constant 16 : i32
    %dma_wait3A_255 = arith.constant 0 : i32
    %dma_wait3A_256 = tpu.memref_slice %arg8[%dma_wait3A_254, %dma_wait3A_255] : memref<24x128xf32, #tpu.memory_space<vmem_shared>> -> memref<8x128xf32, #tpu.memory_space<vmem_shared>>
    %dma_wait3A_257 = arith.constant 8 : i32
    %dma_wait3A_258 = arith.constant 0 : i32
    %dma_wait3A_259 = tpu.memref_slice %arg5[%dma_wait3A_257, %dma_wait3A_258] : memref<128x128xf32, #tpu.memory_space<vmem>> -> memref<8x128xf32, #tpu.memory_space<vmem>>
    %dma_wait3A_260 = arith.constant 16 : i32
    %dma_wait3A_261 = arith.constant 0 : i32
    %dma_wait3A_262 = tpu.memref_slice %arg8[%dma_wait3A_260, %dma_wait3A_261] : memref<24x128xf32, #tpu.memory_space<vmem_shared>> -> memref<8x128xf32, #tpu.memory_space<vmem_shared>>
    tpu.wait_dma2 semaphore(%arg10 : memref<!tpu.dma_semaphore, #tpu.memory_space<semaphore_mem>>) src(%dma_wait3A_262 : memref<8x128xf32, #tpu.memory_space<vmem_shared>>) dst(%dma_wait3A_259 : memref<8x128xf32, #tpu.memory_space<vmem>>)
    %dma_wait3A_263 = arith.constant 16 : i32
    %dma_wait3A_264 = arith.constant 0 : i32
    %dma_wait3A_265 = tpu.memref_slice %arg5[%dma_wait3A_263, %dma_wait3A_264] : memref<128x128xf32, #tpu.memory_space<vmem>> -> memref<8x128xf32, #tpu.memory_space<vmem>>
    %dma_wait3A_266 = arith.constant 16 : i32
    %dma_wait3A_267 = arith.constant 0 : i32
    %dma_wait3A_268 = tpu.memref_slice %arg8[%dma_wait3A_266, %dma_wait3A_267] : memref<24x128xf32, #tpu.memory_space<vmem_shared>> -> memref<8x128xf32, #tpu.memory_space<vmem_shared>>
    %dma_wait3A_269 = arith.constant 16 : i32
    %dma_wait3A_270 = arith.constant 0 : i32
    %dma_wait3A_271 = tpu.memref_slice %arg5[%dma_wait3A_269, %dma_wait3A_270] : memref<128x128xf32, #tpu.memory_space<vmem>> -> memref<8x128xf32, #tpu.memory_space<vmem>>
    %dma_wait3A_272 = arith.constant 16 : i32
    %dma_wait3A_273 = arith.constant 0 : i32
    %dma_wait3A_274 = tpu.memref_slice %arg8[%dma_wait3A_272, %dma_wait3A_273] : memref<24x128xf32, #tpu.memory_space<vmem_shared>> -> memref<8x128xf32, #tpu.memory_space<vmem_shared>>
    tpu.wait_dma2 semaphore(%arg10 : memref<!tpu.dma_semaphore, #tpu.memory_space<semaphore_mem>>) src(%dma_wait3A_274 : memref<8x128xf32, #tpu.memory_space<vmem_shared>>) dst(%dma_wait3A_271 : memref<8x128xf32, #tpu.memory_space<vmem>>)
    %dma_wait3A_275 = arith.constant 24 : i32
    %dma_wait3A_276 = arith.constant 0 : i32
    %dma_wait3A_277 = tpu.memref_slice %arg5[%dma_wait3A_275, %dma_wait3A_276] : memref<128x128xf32, #tpu.memory_space<vmem>> -> memref<8x128xf32, #tpu.memory_space<vmem>>
    %dma_wait3A_278 = arith.constant 16 : i32
    %dma_wait3A_279 = arith.constant 0 : i32
    %dma_wait3A_280 = tpu.memref_slice %arg8[%dma_wait3A_278, %dma_wait3A_279] : memref<24x128xf32, #tpu.memory_space<vmem_shared>> -> memref<8x128xf32, #tpu.memory_space<vmem_shared>>
    %dma_wait3A_281 = arith.constant 24 : i32
    %dma_wait3A_282 = arith.constant 0 : i32
    %dma_wait3A_283 = tpu.memref_slice %arg5[%dma_wait3A_281, %dma_wait3A_282] : memref<128x128xf32, #tpu.memory_space<vmem>> -> memref<8x128xf32, #tpu.memory_space<vmem>>
    %dma_wait3A_284 = arith.constant 16 : i32
    %dma_wait3A_285 = arith.constant 0 : i32
    %dma_wait3A_286 = tpu.memref_slice %arg8[%dma_wait3A_284, %dma_wait3A_285] : memref<24x128xf32, #tpu.memory_space<vmem_shared>> -> memref<8x128xf32, #tpu.memory_space<vmem_shared>>
    tpu.wait_dma2 semaphore(%arg10 : memref<!tpu.dma_semaphore, #tpu.memory_space<semaphore_mem>>) src(%dma_wait3A_286 : memref<8x128xf32, #tpu.memory_space<vmem_shared>>) dst(%dma_wait3A_283 : memref<8x128xf32, #tpu.memory_space<vmem>>)
    %dma_wait3A_287 = arith.constant 32 : i32
    %dma_wait3A_288 = arith.constant 0 : i32
    %dma_wait3A_289 = tpu.memref_slice %arg5[%dma_wait3A_287, %dma_wait3A_288] : memref<128x128xf32, #tpu.memory_space<vmem>> -> memref<8x128xf32, #tpu.memory_space<vmem>>
    %dma_wait3A_290 = arith.constant 16 : i32
    %dma_wait3A_291 = arith.constant 0 : i32
    %dma_wait3A_292 = tpu.memref_slice %arg8[%dma_wait3A_290, %dma_wait3A_291] : memref<24x128xf32, #tpu.memory_space<vmem_shared>> -> memref<8x128xf32, #tpu.memory_space<vmem_shared>>
    %dma_wait3A_293 = arith.constant 32 : i32
    %dma_wait3A_294 = arith.constant 0 : i32
    %dma_wait3A_295 = tpu.memref_slice %arg5[%dma_wait3A_293, %dma_wait3A_294] : memref<128x128xf32, #tpu.memory_space<vmem>> -> memref<8x128xf32, #tpu.memory_space<vmem>>
    %dma_wait3A_296 = arith.constant 16 : i32
    %dma_wait3A_297 = arith.constant 0 : i32
    %dma_wait3A_298 = tpu.memref_slice %arg8[%dma_wait3A_296, %dma_wait3A_297] : memref<24x128xf32, #tpu.memory_space<vmem_shared>> -> memref<8x128xf32, #tpu.memory_space<vmem_shared>>
    tpu.wait_dma2 semaphore(%arg10 : memref<!tpu.dma_semaphore, #tpu.memory_space<semaphore_mem>>) src(%dma_wait3A_298 : memref<8x128xf32, #tpu.memory_space<vmem_shared>>) dst(%dma_wait3A_295 : memref<8x128xf32, #tpu.memory_space<vmem>>)
    %dma_wait3A_299 = arith.constant 40 : i32
    %dma_wait3A_300 = arith.constant 0 : i32
    %dma_wait3A_301 = tpu.memref_slice %arg5[%dma_wait3A_299, %dma_wait3A_300] : memref<128x128xf32, #tpu.memory_space<vmem>> -> memref<8x128xf32, #tpu.memory_space<vmem>>
    %dma_wait3A_302 = arith.constant 16 : i32
    %dma_wait3A_303 = arith.constant 0 : i32
    %dma_wait3A_304 = tpu.memref_slice %arg8[%dma_wait3A_302, %dma_wait3A_303] : memref<24x128xf32, #tpu.memory_space<vmem_shared>> -> memref<8x128xf32, #tpu.memory_space<vmem_shared>>
    %dma_wait3A_305 = arith.constant 40 : i32
    %dma_wait3A_306 = arith.constant 0 : i32
    %dma_wait3A_307 = tpu.memref_slice %arg5[%dma_wait3A_305, %dma_wait3A_306] : memref<128x128xf32, #tpu.memory_space<vmem>> -> memref<8x128xf32, #tpu.memory_space<vmem>>
    %dma_wait3A_308 = arith.constant 16 : i32
    %dma_wait3A_309 = arith.constant 0 : i32
    %dma_wait3A_310 = tpu.memref_slice %arg8[%dma_wait3A_308, %dma_wait3A_309] : memref<24x128xf32, #tpu.memory_space<vmem_shared>> -> memref<8x128xf32, #tpu.memory_space<vmem_shared>>
    tpu.wait_dma2 semaphore(%arg10 : memref<!tpu.dma_semaphore, #tpu.memory_space<semaphore_mem>>) src(%dma_wait3A_310 : memref<8x128xf32, #tpu.memory_space<vmem_shared>>) dst(%dma_wait3A_307 : memref<8x128xf32, #tpu.memory_space<vmem>>)
    %dma_wait3A_311 = arith.constant 48 : i32
    %dma_wait3A_312 = arith.constant 0 : i32
    %dma_wait3A_313 = tpu.memref_slice %arg5[%dma_wait3A_311, %dma_wait3A_312] : memref<128x128xf32, #tpu.memory_space<vmem>> -> memref<8x128xf32, #tpu.memory_space<vmem>>
    %dma_wait3A_314 = arith.constant 16 : i32
    %dma_wait3A_315 = arith.constant 0 : i32
    %dma_wait3A_316 = tpu.memref_slice %arg8[%dma_wait3A_314, %dma_wait3A_315] : memref<24x128xf32, #tpu.memory_space<vmem_shared>> -> memref<8x128xf32, #tpu.memory_space<vmem_shared>>
    %dma_wait3A_317 = arith.constant 48 : i32
    %dma_wait3A_318 = arith.constant 0 : i32
    %dma_wait3A_319 = tpu.memref_slice %arg5[%dma_wait3A_317, %dma_wait3A_318] : memref<128x128xf32, #tpu.memory_space<vmem>> -> memref<8x128xf32, #tpu.memory_space<vmem>>
    %dma_wait3A_320 = arith.constant 16 : i32
    %dma_wait3A_321 = arith.constant 0 : i32
    %dma_wait3A_322 = tpu.memref_slice %arg8[%dma_wait3A_320, %dma_wait3A_321] : memref<24x128xf32, #tpu.memory_space<vmem_shared>> -> memref<8x128xf32, #tpu.memory_space<vmem_shared>>
    tpu.wait_dma2 semaphore(%arg10 : memref<!tpu.dma_semaphore, #tpu.memory_space<semaphore_mem>>) src(%dma_wait3A_322 : memref<8x128xf32, #tpu.memory_space<vmem_shared>>) dst(%dma_wait3A_319 : memref<8x128xf32, #tpu.memory_space<vmem>>)
    %dma_wait3A_323 = arith.constant 56 : i32
    %dma_wait3A_324 = arith.constant 0 : i32
    %dma_wait3A_325 = tpu.memref_slice %arg5[%dma_wait3A_323, %dma_wait3A_324] : memref<128x128xf32, #tpu.memory_space<vmem>> -> memref<8x128xf32, #tpu.memory_space<vmem>>
    %dma_wait3A_326 = arith.constant 16 : i32
    %dma_wait3A_327 = arith.constant 0 : i32
    %dma_wait3A_328 = tpu.memref_slice %arg8[%dma_wait3A_326, %dma_wait3A_327] : memref<24x128xf32, #tpu.memory_space<vmem_shared>> -> memref<8x128xf32, #tpu.memory_space<vmem_shared>>
    %dma_wait3A_329 = arith.constant 56 : i32
    %dma_wait3A_330 = arith.constant 0 : i32
    %dma_wait3A_331 = tpu.memref_slice %arg5[%dma_wait3A_329, %dma_wait3A_330] : memref<128x128xf32, #tpu.memory_space<vmem>> -> memref<8x128xf32, #tpu.memory_space<vmem>>
    %dma_wait3A_332 = arith.constant 16 : i32
    %dma_wait3A_333 = arith.constant 0 : i32
    %dma_wait3A_334 = tpu.memref_slice %arg8[%dma_wait3A_332, %dma_wait3A_333] : memref<24x128xf32, #tpu.memory_space<vmem_shared>> -> memref<8x128xf32, #tpu.memory_space<vmem_shared>>
    tpu.wait_dma2 semaphore(%arg10 : memref<!tpu.dma_semaphore, #tpu.memory_space<semaphore_mem>>) src(%dma_wait3A_334 : memref<8x128xf32, #tpu.memory_space<vmem_shared>>) dst(%dma_wait3A_331 : memref<8x128xf32, #tpu.memory_space<vmem>>)
    %dma_wait3A_335 = arith.constant 64 : i32
    %dma_wait3A_336 = arith.constant 0 : i32
    %dma_wait3A_337 = tpu.memref_slice %arg5[%dma_wait3A_335, %dma_wait3A_336] : memref<128x128xf32, #tpu.memory_space<vmem>> -> memref<8x128xf32, #tpu.memory_space<vmem>>
    %dma_wait3A_338 = arith.constant 16 : i32
    %dma_wait3A_339 = arith.constant 0 : i32
    %dma_wait3A_340 = tpu.memref_slice %arg8[%dma_wait3A_338, %dma_wait3A_339] : memref<24x128xf32, #tpu.memory_space<vmem_shared>> -> memref<8x128xf32, #tpu.memory_space<vmem_shared>>
    %dma_wait3A_341 = arith.constant 64 : i32
    %dma_wait3A_342 = arith.constant 0 : i32
    %dma_wait3A_343 = tpu.memref_slice %arg5[%dma_wait3A_341, %dma_wait3A_342] : memref<128x128xf32, #tpu.memory_space<vmem>> -> memref<8x128xf32, #tpu.memory_space<vmem>>
    %dma_wait3A_344 = arith.constant 16 : i32
    %dma_wait3A_345 = arith.constant 0 : i32
    %dma_wait3A_346 = tpu.memref_slice %arg8[%dma_wait3A_344, %dma_wait3A_345] : memref<24x128xf32, #tpu.memory_space<vmem_shared>> -> memref<8x128xf32, #tpu.memory_space<vmem_shared>>
    tpu.wait_dma2 semaphore(%arg10 : memref<!tpu.dma_semaphore, #tpu.memory_space<semaphore_mem>>) src(%dma_wait3A_346 : memref<8x128xf32, #tpu.memory_space<vmem_shared>>) dst(%dma_wait3A_343 : memref<8x128xf32, #tpu.memory_space<vmem>>)
    %dma_wait3A_347 = arith.constant 72 : i32
    %dma_wait3A_348 = arith.constant 0 : i32
    %dma_wait3A_349 = tpu.memref_slice %arg5[%dma_wait3A_347, %dma_wait3A_348] : memref<128x128xf32, #tpu.memory_space<vmem>> -> memref<8x128xf32, #tpu.memory_space<vmem>>
    %dma_wait3A_350 = arith.constant 16 : i32
    %dma_wait3A_351 = arith.constant 0 : i32
    %dma_wait3A_352 = tpu.memref_slice %arg8[%dma_wait3A_350, %dma_wait3A_351] : memref<24x128xf32, #tpu.memory_space<vmem_shared>> -> memref<8x128xf32, #tpu.memory_space<vmem_shared>>
    %dma_wait3A_353 = arith.constant 72 : i32
    %dma_wait3A_354 = arith.constant 0 : i32
    %dma_wait3A_355 = tpu.memref_slice %arg5[%dma_wait3A_353, %dma_wait3A_354] : memref<128x128xf32, #tpu.memory_space<vmem>> -> memref<8x128xf32, #tpu.memory_space<vmem>>
    %dma_wait3A_356 = arith.constant 16 : i32
    %dma_wait3A_357 = arith.constant 0 : i32
    %dma_wait3A_358 = tpu.memref_slice %arg8[%dma_wait3A_356, %dma_wait3A_357] : memref<24x128xf32, #tpu.memory_space<vmem_shared>> -> memref<8x128xf32, #tpu.memory_space<vmem_shared>>
    tpu.wait_dma2 semaphore(%arg10 : memref<!tpu.dma_semaphore, #tpu.memory_space<semaphore_mem>>) src(%dma_wait3A_358 : memref<8x128xf32, #tpu.memory_space<vmem_shared>>) dst(%dma_wait3A_355 : memref<8x128xf32, #tpu.memory_space<vmem>>)
    %dma_wait3A_359 = arith.constant 80 : i32
    %dma_wait3A_360 = arith.constant 0 : i32
    %dma_wait3A_361 = tpu.memref_slice %arg5[%dma_wait3A_359, %dma_wait3A_360] : memref<128x128xf32, #tpu.memory_space<vmem>> -> memref<8x128xf32, #tpu.memory_space<vmem>>
    %dma_wait3A_362 = arith.constant 16 : i32
    %dma_wait3A_363 = arith.constant 0 : i32
    %dma_wait3A_364 = tpu.memref_slice %arg8[%dma_wait3A_362, %dma_wait3A_363] : memref<24x128xf32, #tpu.memory_space<vmem_shared>> -> memref<8x128xf32, #tpu.memory_space<vmem_shared>>
    %dma_wait3A_365 = arith.constant 80 : i32
    %dma_wait3A_366 = arith.constant 0 : i32
    %dma_wait3A_367 = tpu.memref_slice %arg5[%dma_wait3A_365, %dma_wait3A_366] : memref<128x128xf32, #tpu.memory_space<vmem>> -> memref<8x128xf32, #tpu.memory_space<vmem>>
    %dma_wait3A_368 = arith.constant 16 : i32
    %dma_wait3A_369 = arith.constant 0 : i32
    %dma_wait3A_370 = tpu.memref_slice %arg8[%dma_wait3A_368, %dma_wait3A_369] : memref<24x128xf32, #tpu.memory_space<vmem_shared>> -> memref<8x128xf32, #tpu.memory_space<vmem_shared>>
    tpu.wait_dma2 semaphore(%arg10 : memref<!tpu.dma_semaphore, #tpu.memory_space<semaphore_mem>>) src(%dma_wait3A_370 : memref<8x128xf32, #tpu.memory_space<vmem_shared>>) dst(%dma_wait3A_367 : memref<8x128xf32, #tpu.memory_space<vmem>>)
    %dma_wait3A_371 = arith.constant 88 : i32
    %dma_wait3A_372 = arith.constant 0 : i32
    %dma_wait3A_373 = tpu.memref_slice %arg5[%dma_wait3A_371, %dma_wait3A_372] : memref<128x128xf32, #tpu.memory_space<vmem>> -> memref<8x128xf32, #tpu.memory_space<vmem>>
    %dma_wait3A_374 = arith.constant 16 : i32
    %dma_wait3A_375 = arith.constant 0 : i32
    %dma_wait3A_376 = tpu.memref_slice %arg8[%dma_wait3A_374, %dma_wait3A_375] : memref<24x128xf32, #tpu.memory_space<vmem_shared>> -> memref<8x128xf32, #tpu.memory_space<vmem_shared>>
    %dma_wait3A_377 = arith.constant 88 : i32
    %dma_wait3A_378 = arith.constant 0 : i32
    %dma_wait3A_379 = tpu.memref_slice %arg5[%dma_wait3A_377, %dma_wait3A_378] : memref<128x128xf32, #tpu.memory_space<vmem>> -> memref<8x128xf32, #tpu.memory_space<vmem>>
    %dma_wait3A_380 = arith.constant 16 : i32
    %dma_wait3A_381 = arith.constant 0 : i32
    %dma_wait3A_382 = tpu.memref_slice %arg8[%dma_wait3A_380, %dma_wait3A_381] : memref<24x128xf32, #tpu.memory_space<vmem_shared>> -> memref<8x128xf32, #tpu.memory_space<vmem_shared>>
    tpu.wait_dma2 semaphore(%arg10 : memref<!tpu.dma_semaphore, #tpu.memory_space<semaphore_mem>>) src(%dma_wait3A_382 : memref<8x128xf32, #tpu.memory_space<vmem_shared>>) dst(%dma_wait3A_379 : memref<8x128xf32, #tpu.memory_space<vmem>>)
    %dma_wait3A_383 = arith.constant 96 : i32
    %dma_wait3A_384 = arith.constant 0 : i32
    %dma_wait3A_385 = tpu.memref_slice %arg5[%dma_wait3A_383, %dma_wait3A_384] : memref<128x128xf32, #tpu.memory_space<vmem>> -> memref<8x128xf32, #tpu.memory_space<vmem>>
    %dma_wait3A_386 = arith.constant 16 : i32
    %dma_wait3A_387 = arith.constant 0 : i32
    %dma_wait3A_388 = tpu.memref_slice %arg8[%dma_wait3A_386, %dma_wait3A_387] : memref<24x128xf32, #tpu.memory_space<vmem_shared>> -> memref<8x128xf32, #tpu.memory_space<vmem_shared>>
    %dma_wait3A_389 = arith.constant 96 : i32
    %dma_wait3A_390 = arith.constant 0 : i32
    %dma_wait3A_391 = tpu.memref_slice %arg5[%dma_wait3A_389, %dma_wait3A_390] : memref<128x128xf32, #tpu.memory_space<vmem>> -> memref<8x128xf32, #tpu.memory_space<vmem>>
    %dma_wait3A_392 = arith.constant 16 : i32
    %dma_wait3A_393 = arith.constant 0 : i32
    %dma_wait3A_394 = tpu.memref_slice %arg8[%dma_wait3A_392, %dma_wait3A_393] : memref<24x128xf32, #tpu.memory_space<vmem_shared>> -> memref<8x128xf32, #tpu.memory_space<vmem_shared>>
    tpu.wait_dma2 semaphore(%arg10 : memref<!tpu.dma_semaphore, #tpu.memory_space<semaphore_mem>>) src(%dma_wait3A_394 : memref<8x128xf32, #tpu.memory_space<vmem_shared>>) dst(%dma_wait3A_391 : memref<8x128xf32, #tpu.memory_space<vmem>>)
    %dma_wait3A_395 = arith.constant 104 : i32
    %dma_wait3A_396 = arith.constant 0 : i32
    %dma_wait3A_397 = tpu.memref_slice %arg5[%dma_wait3A_395, %dma_wait3A_396] : memref<128x128xf32, #tpu.memory_space<vmem>> -> memref<8x128xf32, #tpu.memory_space<vmem>>
    %dma_wait3A_398 = arith.constant 16 : i32
    %dma_wait3A_399 = arith.constant 0 : i32
    %dma_wait3A_400 = tpu.memref_slice %arg8[%dma_wait3A_398, %dma_wait3A_399] : memref<24x128xf32, #tpu.memory_space<vmem_shared>> -> memref<8x128xf32, #tpu.memory_space<vmem_shared>>
    %dma_wait3A_401 = arith.constant 104 : i32
    %dma_wait3A_402 = arith.constant 0 : i32
    %dma_wait3A_403 = tpu.memref_slice %arg5[%dma_wait3A_401, %dma_wait3A_402] : memref<128x128xf32, #tpu.memory_space<vmem>> -> memref<8x128xf32, #tpu.memory_space<vmem>>
    %dma_wait3A_404 = arith.constant 16 : i32
    %dma_wait3A_405 = arith.constant 0 : i32
    %dma_wait3A_406 = tpu.memref_slice %arg8[%dma_wait3A_404, %dma_wait3A_405] : memref<24x128xf32, #tpu.memory_space<vmem_shared>> -> memref<8x128xf32, #tpu.memory_space<vmem_shared>>
    tpu.wait_dma2 semaphore(%arg10 : memref<!tpu.dma_semaphore, #tpu.memory_space<semaphore_mem>>) src(%dma_wait3A_406 : memref<8x128xf32, #tpu.memory_space<vmem_shared>>) dst(%dma_wait3A_403 : memref<8x128xf32, #tpu.memory_space<vmem>>)
    %dma_wait3A_407 = arith.constant 112 : i32
    %dma_wait3A_408 = arith.constant 0 : i32
    %dma_wait3A_409 = tpu.memref_slice %arg5[%dma_wait3A_407, %dma_wait3A_408] : memref<128x128xf32, #tpu.memory_space<vmem>> -> memref<8x128xf32, #tpu.memory_space<vmem>>
    %dma_wait3A_410 = arith.constant 16 : i32
    %dma_wait3A_411 = arith.constant 0 : i32
    %dma_wait3A_412 = tpu.memref_slice %arg8[%dma_wait3A_410, %dma_wait3A_411] : memref<24x128xf32, #tpu.memory_space<vmem_shared>> -> memref<8x128xf32, #tpu.memory_space<vmem_shared>>
    %dma_wait3A_413 = arith.constant 112 : i32
    %dma_wait3A_414 = arith.constant 0 : i32
    %dma_wait3A_415 = tpu.memref_slice %arg5[%dma_wait3A_413, %dma_wait3A_414] : memref<128x128xf32, #tpu.memory_space<vmem>> -> memref<8x128xf32, #tpu.memory_space<vmem>>
    %dma_wait3A_416 = arith.constant 16 : i32
    %dma_wait3A_417 = arith.constant 0 : i32
    %dma_wait3A_418 = tpu.memref_slice %arg8[%dma_wait3A_416, %dma_wait3A_417] : memref<24x128xf32, #tpu.memory_space<vmem_shared>> -> memref<8x128xf32, #tpu.memory_space<vmem_shared>>
    tpu.wait_dma2 semaphore(%arg10 : memref<!tpu.dma_semaphore, #tpu.memory_space<semaphore_mem>>) src(%dma_wait3A_418 : memref<8x128xf32, #tpu.memory_space<vmem_shared>>) dst(%dma_wait3A_415 : memref<8x128xf32, #tpu.memory_space<vmem>>)
    %dma_wait3A_419 = arith.constant 120 : i32
    %dma_wait3A_420 = arith.constant 0 : i32
    %dma_wait3A_421 = tpu.memref_slice %arg5[%dma_wait3A_419, %dma_wait3A_420] : memref<128x128xf32, #tpu.memory_space<vmem>> -> memref<8x128xf32, #tpu.memory_space<vmem>>
    %dma_wait3A_422 = arith.constant 16 : i32
    %dma_wait3A_423 = arith.constant 0 : i32
    %dma_wait3A_424 = tpu.memref_slice %arg8[%dma_wait3A_422, %dma_wait3A_423] : memref<24x128xf32, #tpu.memory_space<vmem_shared>> -> memref<8x128xf32, #tpu.memory_space<vmem_shared>>
    %dma_wait3A_425 = arith.constant 120 : i32
    %dma_wait3A_426 = arith.constant 0 : i32
    %dma_wait3A_427 = tpu.memref_slice %arg5[%dma_wait3A_425, %dma_wait3A_426] : memref<128x128xf32, #tpu.memory_space<vmem>> -> memref<8x128xf32, #tpu.memory_space<vmem>>
    %dma_wait3A_428 = arith.constant 16 : i32
    %dma_wait3A_429 = arith.constant 0 : i32
    %dma_wait3A_430 = tpu.memref_slice %arg8[%dma_wait3A_428, %dma_wait3A_429] : memref<24x128xf32, #tpu.memory_space<vmem_shared>> -> memref<8x128xf32, #tpu.memory_space<vmem_shared>>
    tpu.wait_dma2 semaphore(%arg10 : memref<!tpu.dma_semaphore, #tpu.memory_space<semaphore_mem>>) src(%dma_wait3A_430 : memref<8x128xf32, #tpu.memory_space<vmem_shared>>) dst(%dma_wait3A_427 : memref<8x128xf32, #tpu.memory_space<vmem>>)
    %mul3A_431 = arith.constant 128 : i32
    %mul3A_432 = arith.muli %sub3A_17, %mul3A_431 : i32
    %iota3A = tpu.iota {dimensions = array<i32: 0>} : vector<16xi32>
    %broadcast_in_dim3A_433 = arith.constant 1.000000e+01 : f32
    %broadcast_in_dim3A_434 = vector.broadcast %broadcast_in_dim3A_433 : f32 to vector<16xf32>
    %scan3A_435 = arith.constant 0 : i32
    %scan3A_436 = arith.constant 0 : i32
    %scan3A_437 = arith.constant 8 : i32
    %scan3A_438 = arith.addi %scan3A_436, %scan3A_437 : i32
    %scan3A_439 = arith.constant 1 : i32
    scf.for %scan3A_450 = %scan3A_436 to %scan3A_438 step %scan3A_439  : i32 {
      %mul3A_451 = arith.constant 16 : i32
      %mul3A_452 = arith.muli %scan3A_450, %mul3A_451 : i32
      %multiple_of3A = tpu.assume_multiple %mul3A_452, 16 : i32
      %scan3A_453 = arith.constant 0 : i32
      %scan3A_454 = arith.constant 8 : i32
      %scan3A_455 = arith.addi %scan3A_453, %scan3A_454 : i32
      %scan3A_456 = arith.constant 1 : i32
      %scan3A_457 = scf.for %scan3A_491 = %scan3A_453 to %scan3A_455 step %scan3A_456 iter_args(%scan3A_492 = %broadcast_in_dim3A_29) -> (vector<16xf32>)  : i32 {
        %get3A = arith.index_cast %scan3A_491 : i32 to index
        %get3A_493 = arith.index_cast %multiple_of3A : i32 to index
        %get3A_494 = tpu.vector_load %arg7[%get3A, %get3A_493] {strides = array<i32>} : memref<8x128xf32, #tpu.memory_space<vmem>>, vector<16xf32>,
        %add3A_495 = arith.addf %scan3A_492, %get3A_494 : vector<16xf32>
        scf.yield %add3A_495 : vector<16xf32>
      }
      %scan3A_458 = arith.constant 8 : i32
      %div3A_459 = arith.constant 1.920000e+02 : f32
      %div3A_460 = vector.broadcast %div3A_459 : f32 to vector<16xf32>
      %div3A_461 = arith.divf %scan3A_457, %div3A_460 : vector<16xf32>
      %mul3A_462 = arith.constant 1.000000e+01 : f32
      %mul3A_463 = vector.broadcast %mul3A_462 : f32 to vector<16xf32>
      %mul3A_464 = arith.mulf %div3A_461, %mul3A_463 : vector<16xf32>
      %convert_element_type3A_465 = arith.fptosi %mul3A_464 : vector<16xf32> to vector<16xi32>
      %rem3A_466 = arith.constant 1000 : i32
      %rem3A_467 = vector.broadcast %rem3A_466 : i32 to vector<16xi32>
      %rem3A_468 = arith.remsi %convert_element_type3A_465, %rem3A_467 : vector<16xi32>
      %lt3A_469 = arith.constant 0 : i32
      %lt3A_470 = vector.broadcast %lt3A_469 : i32 to vector<16xi32>
      %lt3A_471 = arith.cmpi slt, %rem3A_468, %lt3A_470 : vector<16xi32>
      %add3A_472 = arith.constant 1000 : i32
      %add3A_473 = vector.broadcast %add3A_472 : i32 to vector<16xi32>
      %add3A_474 = arith.addi %rem3A_468, %add3A_473 : vector<16xi32>
      %select_n3A_475 = arith.select %lt3A_471, %add3A_474, %rem3A_468 : vector<16xi1>, vector<16xi32>
      %sub3A_476 = vector.broadcast %mul3A_432 : i32 to vector<16xi32>
      %sub3A_477 = arith.subi %select_n3A_475, %sub3A_476 : vector<16xi32>
      %ge3A = arith.constant 0 : i32
      %ge3A_478 = vector.broadcast %ge3A : i32 to vector<16xi32>
      %ge3A_479 = arith.cmpi sge, %sub3A_477, %ge3A_478 : vector<16xi32>
      %lt3A_480 = arith.constant 128 : i32
      %lt3A_481 = vector.broadcast %lt3A_480 : i32 to vector<16xi32>
      %lt3A_482 = arith.cmpi slt, %sub3A_477, %lt3A_481 : vector<16xi32>
      %and3A_483 = arith.andi %ge3A_479, %lt3A_482 : vector<16xi1>
      %jit3A_484 = arith.constant 0 : i32
      %broadcast_in_dim3A_485 = vector.broadcast %jit3A_484 : i32 to vector<16xi32>
      %select_n3A_486 = arith.select %and3A_483, %sub3A_477, %broadcast_in_dim3A_485 : vector<16xi1>, vector<16xi32>
      %mul3A_487 = arith.constant 16 : i32
      %mul3A_488 = arith.muli %scan3A_450, %mul3A_487 : i32
      %add3A_489 = vector.broadcast %mul3A_488 : i32 to vector<16xi32>
      %add3A_490 = arith.addi %iota3A, %add3A_489 : vector<16xi32>
      tpu.vector_store_idx %arg5[%select_n3A_486, %add3A_490], %broadcast_in_dim3A_434 masked %and3A_483 : memref<128x128xf32, #tpu.memory_space<vmem>>[vector<16xi32>, vector<16xi32>], vector<16xf32>, vector<16xi1>
    }
    %scan3A_440 = arith.constant 8 : i32
    %lt3A = arith.constant 7 : i32
    %lt3A_441 = arith.cmpi slt, %sub3A_17, %lt3A : i32
    %convert_element_type3A_442 = arith.extui %lt3A_441 : i1 to i32
    %cond3A_443 = arith.constant 0 : i32
    %cond3A_444 = arith.cmpi ne, %convert_element_type3A_442, %cond3A_443 : i32
    scf.if %cond3A_444 {
      "tpu.region"() ({
        %run_scoped3A = tpu.sem_alloc : memref<!tpu.dma_semaphore, #tpu.memory_space<semaphore_mem>>
        %dma_start3A_450 = tpu.memref_slice %arg3[%mul3A_432, %mul3A_21] : memref<1000x512xf32, #tpu.memory_space<hbm>> -> memref<128x128xf32, #tpu.memory_space<hbm>>
        %dma_start3A_451 = tpu.memref_slice %arg3[%mul3A_432, %mul3A_21] : memref<1000x512xf32, #tpu.memory_space<hbm>> -> memref<128x128xf32, #tpu.memory_space<hbm>>
        tpu.enqueue_dma source(%arg5 : memref<128x128xf32, #tpu.memory_space<vmem>>) target(%dma_start3A_451 : memref<128x128xf32, #tpu.memory_space<hbm>>) target_semaphore(%run_scoped3A : memref<!tpu.dma_semaphore, #tpu.memory_space<semaphore_mem>>)
        %dma_wait3A_452 = tpu.memref_slice %arg3[%mul3A_432, %mul3A_21] : memref<1000x512xf32, #tpu.memory_space<hbm>> -> memref<128x128xf32, #tpu.memory_space<hbm>>
        %dma_wait3A_453 = tpu.memref_slice %arg3[%mul3A_432, %mul3A_21] : memref<1000x512xf32, #tpu.memory_space<hbm>> -> memref<128x128xf32, #tpu.memory_space<hbm>>
        tpu.wait_dma2 semaphore(%run_scoped3A : memref<!tpu.dma_semaphore, #tpu.memory_space<semaphore_mem>>) src(%arg5 : memref<128x128xf32, #tpu.memory_space<vmem>>) dst(%dma_wait3A_453 : memref<128x128xf32, #tpu.memory_space<hbm>>)
        tpu.yield
      }) : () -> ()
    } else {
    }
    %eq3A_445 = arith.constant 7 : i32
    %eq3A_446 = arith.cmpi eq, %sub3A_17, %eq3A_445 : i32
    %convert_element_type3A_447 = arith.extui %eq3A_446 : i1 to i32
    %cond3A_448 = arith.constant 0 : i32
    %cond3A_449 = arith.cmpi ne, %convert_element_type3A_447, %cond3A_448 : i32
    scf.if %cond3A_449 {
      "tpu.region"() ({
        %run_scoped3A = tpu.sem_alloc : memref<!tpu.dma_semaphore, #tpu.memory_space<semaphore_mem>>
        %dma_start3A_450 = arith.constant 0 : i32
        %dma_start3A_451 = arith.constant 0 : i32
        %dma_start3A_452 = tpu.memref_slice %arg5[%dma_start3A_450, %dma_start3A_451] : memref<128x128xf32, #tpu.memory_space<vmem>> -> memref<104x128xf32, #tpu.memory_space<vmem>>
        %dma_start3A_453 = tpu.memref_slice %arg3[%mul3A_432, %mul3A_21] : memref<1000x512xf32, #tpu.memory_space<hbm>> -> memref<104x128xf32, #tpu.memory_space<hbm>>
        %dma_start3A_454 = tpu.memref_slice %arg3[%mul3A_432, %mul3A_21] : memref<1000x512xf32, #tpu.memory_space<hbm>> -> memref<104x128xf32, #tpu.memory_space<hbm>>
        %dma_start3A_455 = arith.constant 0 : i32
        %dma_start3A_456 = arith.constant 0 : i32
        %dma_start3A_457 = tpu.memref_slice %arg5[%dma_start3A_455, %dma_start3A_456] : memref<128x128xf32, #tpu.memory_space<vmem>> -> memref<104x128xf32, #tpu.memory_space<vmem>>
        tpu.enqueue_dma source(%dma_start3A_457 : memref<104x128xf32, #tpu.memory_space<vmem>>) target(%dma_start3A_454 : memref<104x128xf32, #tpu.memory_space<hbm>>) target_semaphore(%run_scoped3A : memref<!tpu.dma_semaphore, #tpu.memory_space<semaphore_mem>>)
        %dma_wait3A_458 = arith.constant 0 : i32
        %dma_wait3A_459 = arith.constant 0 : i32
        %dma_wait3A_460 = tpu.memref_slice %arg5[%dma_wait3A_458, %dma_wait3A_459] : memref<128x128xf32, #tpu.memory_space<vmem>> -> memref<104x128xf32, #tpu.memory_space<vmem>>
        %dma_wait3A_461 = tpu.memref_slice %arg3[%mul3A_432, %mul3A_21] : memref<1000x512xf32, #tpu.memory_space<hbm>> -> memref<104x128xf32, #tpu.memory_space<hbm>>
        %dma_wait3A_462 = tpu.memref_slice %arg3[%mul3A_432, %mul3A_21] : memref<1000x512xf32, #tpu.memory_space<hbm>> -> memref<104x128xf32, #tpu.memory_space<hbm>>
        %dma_wait3A_463 = arith.constant 0 : i32
        %dma_wait3A_464 = arith.constant 0 : i32
        %dma_wait3A_465 = tpu.memref_slice %arg5[%dma_wait3A_463, %dma_wait3A_464] : memref<128x128xf32, #tpu.memory_space<vmem>> -> memref<104x128xf32, #tpu.memory_space<vmem>>
        tpu.wait_dma2 semaphore(%run_scoped3A : memref<!tpu.dma_semaphore, #tpu.memory_space<semaphore_mem>>) src(%dma_wait3A_465 : memref<104x128xf32, #tpu.memory_space<vmem>>) dst(%dma_wait3A_462 : memref<104x128xf32, #tpu.memory_space<hbm>>)
        tpu.yield
      }) : () -> ()
    } else {
    }
    return
  }
}

</mosaic_0001>

<sc_bundles>
// kernel: kernel.3.cloned.1.call-start
scs
__scs_entry_jumppad:
0x0: {  	(pc) =	sbr.rel $0x88, $3  }
0x1: {  	(tag) =	ssettag $0x0;
	lr =	simm.s32 $0x1  }
0x2: {  	[smem:$0x3FA0] =	sst lr;
	_ =	strace $0xD0000000  }
0x3: {  	_ = 	snop  }
0x4: {  	_ = 	snop  }
0x5: {  	_ = 	snop  }
0x6: {  	_ = 	snop  }
0x7: {  	_ = 	snop  }
__scs_overlays_trampoline_lowered:
0x8: {  	[smem:$0x3FAF] =	sst s0  }
0x9: {  	[smem:$0x3FB0] =	sst s1  }
0xa: {  	[smem:$0x3FB1] =	sst s2  }
0xb: {  	[smem:$0x3FB2] =	sst s3  }
0xc: {  	[smem:$0x3FB3] =	sst s4  }
0xd: {  	[smem:$0x3FB4] =	sst s5  }
0xe: {  	[smem:$0x3FB5] =	sst s6  }
0xf: {  	[smem:$0x3FB6] =	sst s7  }
0x10: {  	[smem:$0x3FB7] =	sst s8  }
0x11: {  	[smem:$0x3FB8] =	sst s9;
	s0 =	simm.s32 @!p0 $0x0  }
0x12: {  	s1 =	sld [smem:$0x3F9E];
	s0 =	simm.s32 @p0 $0x1  }
0x13: {  	[smem:$0x3FB9] =	sst s0;
	s0 =	simm.s32 @!p1 $0x0  }
0x14: {  	s2 =	sld [smem:$0x3F9D];
	s0 =	simm.s32 @p1 $0x1  }
0x15: {  	[smem:$0x3FBA] =	sst s0;
	s0 =	simm.s32 @!p2 $0x0  }
0x16: {  	s3 =	sld [smem:$0x3FDB];
	s0 =	simm.s32 @p2 $0x1  }
0x17: {  	s4 =	simm.s32 $0x1BF5;
	[smem:$0x3FBC] =	sst s0  }
0x18: {  	s0 =	sld [smem:$0x3F9F];
	_ =	swait.ge [sflag:s4], $0x0  }
0x19: {  	s7 =	sld [smem:$0x3FA0]  }
0x1a: {  	s8 =	sadd.s32 $0xFFFFE003, lr  }
0x1b: {  	s9 =	sadd.s32 $0xFFFFFEF7, lr;
	s5 =	simm.s32 $0xFFFFFFFF;
	p2 =	slt.u32 s8, $0xFFFFF086  }
0x1c: {  	p1 =	slt.u32 s9, $0xF7A;
	s5 =	simm.s32 @!p2 $0x0  }
0x1d: {  	s5 =	simm.s32 @p1 $0x1;
	p0 =	seq.s32 s7, s2  }
0x1e: {  	s7 =	smul.u32 @!p0 $0xF7A, s2;
	p2 =	seq.s32 @!p0 s5, $0x0  }
0x1f: {  	s9 =	smul.u32 $0xF7A, s1;
	s8 =	simm.s32 @!p0 $0x1BF5;
	p2 =	por !p2, p0  }
0x20: {  	[sflag:s8] =	ssyncset.s32 @!p0 $0xFFFFF086;
	s6 =	sadd.s32 @!p0 s3, s7;
	s7 =	simm.s32 @!p0 $0x108  }
0x21: {  	s3 =	sadd.s32 s3, s9;
	s6 =	sadd.s32 @!p0 $0x88, s6;
	s7 =	simm.s32 @p2 $0x1082  }
0x22: {  	[simem:s7], [sflag:s8] =	dma.local @!p0 [hbm:s6], $0xF7A  }
0x23: {  	s9 =	sor.u32 $0xD0000000, s2;
	s6 =	simm.s32 $0x108;
	_ =	swait.ge @!p0 [sflag:s8], $0x0  }
0x24: {  	s3 =	sadd.s32 $0x88, s3;
	s6 =	simm.s32 @!p1 $0x1082;
	[sflag:s4] =	ssyncset.s32 $0xFFFFF086  }
0x25: {  	[simem:s6], [sflag:s4] =	dma.local [hbm:s3], $0xF7A  }
0x26: {  	[smem:$0x3FA0] =	sst s1;
	(tag) =	ssettag s2;
	_ =	strace s9  }
0x27: {  	s1 =	sld [smem:$0x3FB0]  }
0x28: {  	s2 =	sld [smem:$0x3FB1]  }
0x29: {  	s4 =	sld [smem:$0x3FB3]  }
0x2a: {  	p0 =	seq.s32 s5, $0x0;
	s5 =	sld [smem:$0x3FB4]  }
0x2b: {  	s6 =	sld [smem:$0x3FB5]  }
0x2c: {  	s7 =	sld [smem:$0x3FB6]  }
0x2d: {  	s3 =	simm.s32 $0x108;
	s8 =	sld [smem:$0x3FB7]  }
0x2e: {  	s3 =	simm.s32 @!p0 $0x1082;
	s9 =	sld [smem:$0x3FB8]  }
0x2f: {  	lr =	sadd.s32 s0, s3;
	s0 =	sld [smem:$0x3FAF]  }
0x30: {  	s3 =	sld [smem:$0x3FB2]  }
0x31: {  	[smem:$0x3FBB] =	sst s10  }
0x32: {  	s10 =	sld [smem:$0x3FB9];
	_ =	sdelay $0x3  }
0x33: {  	p0 =	seq.s32 s10, $0x1;
	s10 =	sld [smem:$0x3FBB];
	_ =	sdelay $0x3  }
0x34: {  	[smem:$0x3FBB] =	sst s10  }
0x35: {  	s10 =	sld [smem:$0x3FBA];
	_ =	sdelay $0x3  }
0x36: {  	p1 =	seq.s32 s10, $0x1;
	s10 =	sld [smem:$0x3FBB];
	_ =	sdelay $0x3  }
0x37: {  	[smem:$0x3FBB] =	sst s10  }
0x38: {  	s10 =	sld [smem:$0x3FBC]  }
0x39: {  	_ = 	snop;
	(pc) =	sbr.ind lr, $3  }
0x3a: {  	_ = 	snop  }
0x3b: {  	_ = 	snop  }
0x3c: {  	p2 =	seq.s32 s10, $0x1;
	s10 =	sld [smem:$0x3FBB]  }
0x3d: {  	_ =	shalt  }
0x3e: {  	_ =	shalt  }
0x3f: {  	_ =	shalt  }
0x40: {  	_ =	shalt  }
0x41: {  	_ =	shalt  }
0x42: {  	_ =	shalt  }
0x43: {  	_ =	shalt  }
0x44: {  	_ =	shalt  }
0x45: {  	_ =	shalt  }
0x46: {  	_ =	shalt  }
0x47: {  	_ =	shalt  }
0x48: {  	_ =	shalt  }
0x49: {  	_ =	shalt  }
0x4a: {  	_ =	shalt  }
0x4b: {  	_ =	shalt  }
0x4c: {  	_ =	shalt  }
0x4d: {  	_ =	shalt  }
0x4e: {  	_ =	shalt  }
0x4f: {  	_ =	shalt  }
0x50: {  	_ =	shalt  }
0x51: {  	_ =	shalt  }
0x52: {  	_ =	shalt  }
0x53: {  	_ =	shalt  }
0x54: {  	_ =	shalt  }
0x55: {  	_ =	shalt  }
0x56: {  	_ =	shalt  }
0x57: {  	_ =	shalt  }
0x58: {  	_ =	shalt  }
0x59: {  	_ =	shalt  }
0x5a: {  	_ =	shalt  }
0x5b: {  	_ =	shalt  }
0x5c: {  	_ =	shalt  }
0x5d: {  	_ =	shalt  }
0x5e: {  	_ =	shalt  }
0x5f: {  	_ =	shalt  }
0x60: {  	_ =	shalt  }
0x61: {  	_ =	shalt  }
0x62: {  	_ =	shalt  }
0x63: {  	_ =	shalt  }
0x64: {  	_ =	shalt  }
0x65: {  	_ =	shalt  }
0x66: {  	_ =	shalt  }
0x67: {  	_ =	shalt  }
0x68: {  	_ =	shalt  }
0x69: {  	_ =	shalt  }
0x6a: {  	_ =	shalt  }
0x6b: {  	_ =	shalt  }
0x6c: {  	_ =	shalt  }
0x6d: {  	_ =	shalt  }
0x6e: {  	_ =	shalt  }
0x6f: {  	_ =	shalt  }
0x70: {  	_ =	shalt  }
0x71: {  	_ =	shalt  }
0x72: {  	_ =	shalt  }
0x73: {  	_ =	shalt  }
0x74: {  	_ =	shalt  }
0x75: {  	_ =	shalt  }
0x76: {  	_ =	shalt  }
0x77: {  	_ =	shalt  }
0x78: {  	_ =	shalt  }
0x79: {  	_ =	shalt  }
0x7a: {  	_ =	shalt  }
0x7b: {  	_ =	shalt  }
0x7c: {  	_ =	shalt  }
0x7d: {  	_ =	shalt  }
0x7e: {  	_ =	shalt  }
0x7f: {  	_ =	shalt  }
0x80: {  	_ =	shalt  }
0x81: {  	_ =	shalt  }
0x82: {  	_ =	shalt  }
0x83: {  	_ =	shalt  }
0x84: {  	_ =	shalt  }
0x85: {  	_ =	shalt  }
0x86: {  	_ =	shalt  }
0x87: {  	_ =	shalt  }
.Lfunc_end0:
.L_simem_size_0:
called_computation_lowered:
.L_overlay_start_0:
0x88: {  	s2 =	sld [smem:$0x3FD9]  }
0x89: {  	s3 =	sld [smem:$0x3FFE];
	_ =	sdelay $0x1  }
0x8a: {  	s1 =	srdreg.scid  }
0x8b: {  	s0 =	sand.u32 $0x1, s1  }
0x8c: {  	s18 =	sshll.u32 s0, $0xA;
	s2 =	sadd.s32 s3, s2  }
0x8d: {  	s2 =	sadd.s32 s2, s18  }
0x8e: {  	[smem:$0x3FC7] =	sst s2  }
0x8f: {  	_ = 	snop  }
0x90: {  	s2 =	sld [smem:$0x3FC9]  }
0x91: {  	s19 =	sld [smem:$0x3FD0];
	(tm) =	ssettm $0x1  }
0x92: {  	s4 =	sld [smem:$0x3FFB];
	_ =	sdelay $0x3  }
0x93: {  	_ =	strace s4  }
0x94: {  	s4 =	sld [smem:$0x3FFC];
	_ =	sdelay $0x3  }
0x95: {  	_ =	strace s4  }
0x96: {  	s4 =	sld [smem:$0x3FFD];
	_ =	sdelay $0x3  }
0x97: {  	_ =	strace s4  }
0x98: {  	_ =	strace $0x8FFFFFFF  }
0x99: {  	s20 =	sld [smem:$0x3FDB];
	_ =	sdelay $0x1  }
0x9a: {  	s5 =	simm.s32 $_scs_section_size  }
0x9b: {  	s6 =	simm.s32 $_size__tile_overlayer_lowered;
	s7 =	simm.s32 $_tile_overlayer_lowered  }
0x9c: {  	s23 =	simm.s32 $0x1BFF;
	s22 =	sshll.u32 s7, $0x1;
	s4 =	sadd.s32 s5, s20  }
0x9d: {  	s8 =	simm.s32 $0x0;
	s21 =	sshll.u32 s6, $0x1;
	s6 =	sadd.s32 s22, s4  }
0x9e: {  	[timem:s8], [sflag:s23] =	dma.local [hbm:s6], s21  }
0x9f: {  	_ =	swait.ge [sflag:s23], s21  }
0xa0: {  	s5 =	ssub.s32 $0x0, s21;
	[sflag:s23] =	ssyncset.done $0x0  }
0xa1: {  	[sflag:s23] =	ssyncadd.s32 s5;
	_ =	sdelay $0x1  }
0xa2: {  	s24 =	simm.s32 $0x1B8B  }
0xa3: {  	_ =	swait.ge [sflag:s24], $0x1  }
0xa4: {  	[sflag:s24] =	ssyncset.done $0x0  }
0xa5: {  	s25 =	simm.s32 $0x1B8E;
	[sflag:s24] =	ssyncadd.s32 $0xFFFFFFFF  }
0xa6: {  	s26 =	simm.s32 $execute0_lowered;
	[smem:$0x3FD2] =	sst s25  }
0xa7: {  	s5 =	sshll.u32 s26, $0x1;
	_ =	strace $0x80000046;
	[dreg:$0x1] =	wrdreg $0xFFFFFFFF  }
0xa8: {  	s28 =	simm.s32 $_size_execute0_lowered;
	s4 =	sadd.s32 s4, s5;
	[dreg:$0x0] =	wrdreg $0x0  }
0xa9: {  	s5 =	sshll.u32 s28, $0x1;
	[dreg:$0x2] =	wrdreg s4  }
0xaa: {  	[dreg:$0x3] =	wrdreg s5  }
0xab: {  	[dreg:$0x4] =	wrdreg $0xC0  }
0xac: {  	_ =	task [dreg:s8], $0x5FFFF  }
0xad: {  	[dreg:$0x1] =	wrdreg $0xFFFFFFFF  }
0xae: {  	[dreg:$0x0] =	wrdreg $0x60  }
0xaf: {  	[dreg:$0x2] =	wrdreg s2  }
0xb0: {  	[dreg:$0x3] =	wrdreg s19  }
0xb1: {  	[dreg:$0x4] =	wrdreg $0x50800  }
0xb2: {  	[dreg:$0x5] =	wrdreg $0x9  }
0xb3: {  	_ =	task.clear_ibuf [dreg:s8], $0x6FFFF;
	_ =	strace $0x90000046  }
0xb4: {  	s29 =	simm.s32 $0x9;
	_ =	strace $0x80000048  }
0xb5: {  	_ =	swait.ge [sflag:s29], $0x1  }
0xb6: {  	[sflag:s29] =	ssyncadd.s32 $0xFFFFFFFF  }
0xb7: {  	_ =	strace $0x90000048  }
0xb8: {  	_ =	sfence  }
0xb9: {  	s30 =	sld [smem:$0x0];
	_ =	sdelay $0x2  }
0xba: {  	s31 =	sshll.u32 s1, $0xD;
	s1 =	sshrl.u32 s1, $0x2  }
0xbb: {  	s3 =	sand.u32 $0x4000, s31;
	s1 =	sadd.s32 s1, s30  }
0xbc: {  	s0 =	sor.u32 s3, s0;
	s1 =	sshll.u32 s1, $0x11  }
0xbd: {  	s0 =	sor.u32 s1, s0  }
0xbe: {  	s0 =	sadd.s32 $0x8F2B, s0  }
0xbf: {  	[sflag:s0] =	ssyncadd.remote.s32 $0x1  }
0xc0: {  	_ =	sfence.sel $0xFFFF  }
0xc1: {  	[dreg:$0x0] =	wrdreg $0xFFFFFFFF;
	(pc) =	sbr.abs _section_cstart, $3  }
0xc2: {  	[dreg:$0x1] =	wrdreg $0xFFFFFFFF  }
0xc3: {  	_ =	task.clear_ibuf [dreg:s8], $0x2FFFF;
	_ =	strace $0x9FFFFFFF  }
0xc4: {  	(tm) =	ssettm $0x7FFFFFFF  }
0xc5: {  	_ =	shalt  }
tec
execute0_lowered:
.L_overlay_start_1:
0x0: {  	(tag) =	ssettag $0x1  }
0x1: {  	s0 =	rddreg [dreg:$0x0]  }
0x2: {  	s1 =	rddreg [dreg:$0x1]  }
0x3: {  	s5 =	rddreg [dreg:$0x2]  }
0x4: {  	s2 =	srdreg.scid;
	s9 =	stileid.u32;
	s11 =	simm.s32 $0x0  }
0x5: {  	s13 =	simm.s32 $0xC00;
	s2 =	sand.u32 $0x1, s2;
	s10 =	sand.u32 $0x7, s9  }
0x6: {  	s4 =	sshll.u32 s9, $0x7;
	[smem:$0x7FF] =	sst s11;
	s24 =	sadd.s32 $0x800, s5  }
0x7: {  	v0 =	vimm.f32 $1.920000000e+02;
	p0 =	sne.s32 s9, $0x0;
	s3 =	sshll.u32 s2, $0xB;
	_ =	strace $0x80000047  }
0x8: {  	s6 =	sand.u32 $0x400, s4;
	s7 =	smul.u32 $0x1C000, s10;
	s2 =	ssub.s32 $0x2, s2;
	(erf) = vrcp.f32 v0  }
0x9: {  	[dreg:$0x5] =	wrdreg s24;
	s25 =	sshll.u32 s10, $0x10;
	s26 =	sadd.s32 s4, s5  }
0xa: {  	v1 =	vimm.s32 $0xECA86420;
	v2 =	vimm.f32 $1.000000000e+01;
	vm0 =	vcmask $0xB08;
	s12 =	sshll.u32 s10, $0x7;
	s8 =	sor.u32 s3, s6;
	s21 =	sshrl.u32 s2, $0x1  }
0xb: {  	vm1 =	vcmask $0x1310;
	vm2 =	vcmask $0x1B18;
	vm3 =	vcmask $0x300;
	[dreg:$0x6] =	wrdreg s26;
	s29 =	sadd.s32 s6, s5;
	s7 =	sor.u32 s7, s8  }
0xc: {  	vm4 =	vcmask $0x2320;
	vm5 =	vcmask $0x2B28;
	vm6 =	vcmask $0x3330;
	s22 =	ssub.s32 s2, s21;
	s28 =	sshrl.u32 s8, $0x3;
	s23 =	sshrl.u32 s7, $0x3  }
0xd: {  	vm7 =	vcmask $0x3B38;
	v4 =	vlaneseq.u32;
	vm8 =	vmmov $0xff;
	[dreg:$0x7] =	wrdreg s29;
	s7 =	sadd.s32 s28, s1;
	s0 =	sadd.s32 s0, s23  }
0xe: {  	vm9 =	vcmask $0x704;
	vm10 =	vcmask $0xF0C;
	vm11 =	vcmask $0x1714;
	s31 =	smax.u32 s22, $0x1;
	[dreg:$0x4] =	wrdreg s0;
	s0 =	sor.u32 s25, s8  }
0xf: {  	vm12 =	vcmask $0x1F1C;
	vm13 =	vcmask $0x2724;
	v3 =	vunpack.c.l.s4.s8 v1;
	s30 =	sadd.s32 $0xE000, s7;
	[dreg:$0xa] =	wrdreg s31;
	s0 =	sshrl.u32 s0, $0x3  }
0x10: {  	vm14 =	vcmask $0x2F2C;
	vm15 =	vcmask $0x3734;
	v1 =	vimm.f32 $0.0e+00;
	p1 =	seq.s32 s10, $0x7;
	[dreg:$0x9] =	wrdreg s30;
	s0 =	sadd.s32 s1, s0  }
0x11: {  	v5 =	vmul.u32 $0x2, v4;
	v0 =	vmov s12;
	v3 =	vunpack.c.0.s8.s32 v3;
	s3 =	simm.s32 $0x0;
	[dreg:$0x8] =	wrdreg s0;
	s0 =	simm.s32 $0x2;
	v6 =	vpop (erf)  }
.LBB2_1:
.Ltmp0:
0x12: {  	(pc) =	sbr.rel @p0 .LBB2_3-.Ltmp0, $4  }
0x13: {  	_ = 	snop  }
0x14: {  	[dreg:$0xb] =	wrdreg s3;
	s1 =	simm.s32 $0x0  }
0x15: {  	s2 =	rddreg [dreg:$0x4];
	s31 =	simm.s32 $0x400;
	s4 =	simm.s32 $0x1880000  }
0x16: {  	[tilespmem:s1], [sflag:$0x1] =	stream.strided.gather [hbm4b:s2+s31], $0xC00, s4, s31, $0x38;
	[tilespmem:$0x5140] =	vst v63  }
0x17: {  	[tilespmem:$0x4C80] =	vst v1  }
0x18: {  	[tilespmem:$0x4C90] =	vst v1  }
0x19: {  	[tilespmem:$0x4CA0] =	vst v1  }
0x1a: {  	[tilespmem:$0x4CB0] =	vst v1  }
0x1b: {  	[tilespmem:$0x4CC0] =	vst v1  }
0x1c: {  	[tilespmem:$0x4CD0] =	vst v1  }
0x1d: {  	[tilespmem:$0x4CE0] =	vst v1  }
0x1e: {  	[tilespmem:$0x4CF0] =	vst v1  }
0x1f: {  	[tilespmem:$0x4D00] =	vst v1  }
0x20: {  	[tilespmem:$0x4D10] =	vst v1  }
0x21: {  	[tilespmem:$0x4D20] =	vst v1  }
0x22: {  	[tilespmem:$0x4D30] =	vst v1  }
0x23: {  	[tilespmem:$0x4D40] =	vst v1  }
0x24: {  	[tilespmem:$0x4D50] =	vst v1  }
0x25: {  	[tilespmem:$0x4D60] =	vst v1  }
0x26: {  	[tilespmem:$0x4D70] =	vst v1  }
0x27: {  	[tilespmem:$0x4D80] =	vst v1  }
0x28: {  	[tilespmem:$0x4D90] =	vst v1  }
0x29: {  	[tilespmem:$0x4DA0] =	vst v1  }
0x2a: {  	[tilespmem:$0x4DB0] =	vst v1  }
0x2b: {  	[tilespmem:$0x4DC0] =	vst v1  }
0x2c: {  	[tilespmem:$0x4DD0] =	vst v1  }
0x2d: {  	[tilespmem:$0x4DE0] =	vst v1  }
0x2e: {  	[tilespmem:$0x4DF0] =	vst v1  }
0x2f: {  	[tilespmem:$0x4E00] =	vst v1  }
0x30: {  	[tilespmem:$0x4E10] =	vst v1  }
0x31: {  	[tilespmem:$0x4E20] =	vst v1  }
0x32: {  	[tilespmem:$0x4E30] =	vst v1  }
0x33: {  	[tilespmem:$0x4E40] =	vst v1  }
0x34: {  	[tilespmem:$0x4E50] =	vst v1  }
0x35: {  	[tilespmem:$0x4E60] =	vst v1  }
0x36: {  	[tilespmem:$0x4E70] =	vst v1  }
0x37: {  	[tilespmem:$0x4E80] =	vst v1  }
0x38: {  	[tilespmem:$0x4E90] =	vst v1  }
0x39: {  	[tilespmem:$0x4EA0] =	vst v1  }
0x3a: {  	[tilespmem:$0x4EB0] =	vst v1  }
0x3b: {  	[tilespmem:$0x4EC0] =	vst v1  }
0x3c: {  	[tilespmem:$0x4ED0] =	vst v1  }
0x3d: {  	[tilespmem:$0x4EE0] =	vst v1  }
0x3e: {  	[tilespmem:$0x4EF0] =	vst v1  }
0x3f: {  	[tilespmem:$0x4F00] =	vst v1  }
0x40: {  	[tilespmem:$0x4F10] =	vst v1  }
0x41: {  	[tilespmem:$0x4F20] =	vst v1  }
0x42: {  	[tilespmem:$0x4F30] =	vst v1  }
0x43: {  	[tilespmem:$0x4F40] =	vst v1  }
0x44: {  	[tilespmem:$0x4F50] =	vst v1  }
0x45: {  	[tilespmem:$0x4F60] =	vst v1  }
0x46: {  	[tilespmem:$0x4F70] =	vst v1  }
0x47: {  	[tilespmem:$0x4F80] =	vst v1  }
0x48: {  	[tilespmem:$0x4F90] =	vst v1  }
0x49: {  	[tilespmem:$0x4FA0] =	vst v1  }
0x4a: {  	[tilespmem:$0x4FB0] =	vst v1  }
0x4b: {  	[tilespmem:$0x4FC0] =	vst v1  }
0x4c: {  	[tilespmem:$0x4FD0] =	vst v1  }
0x4d: {  	[tilespmem:$0x4FE0] =	vst v1  }
0x4e: {  	[tilespmem:$0x4FF0] =	vst v1  }
0x4f: {  	[tilespmem:$0x5000] =	vst v1  }
0x50: {  	[tilespmem:$0x5010] =	vst v1  }
0x51: {  	[tilespmem:$0x5020] =	vst v1  }
0x52: {  	[tilespmem:$0x5030] =	vst v1  }
0x53: {  	[tilespmem:$0x5040] =	vst v1  }
0x54: {  	[tilespmem:$0x5050] =	vst v1  }
0x55: {  	[tilespmem:$0x5060] =	vst v1  }
0x56: {  	[tilespmem:$0x5070] =	vst v1;
	s1 =	rddreg [dreg:$0x5];
	s2 =	simm.s32 $0x4C80;
	s31 =	simm.s32 $0x3  }
0x57: {  	[spmem:s1] =	stream.linear.scatter [tilespmem:s2], [sflag:$0x3], $0x400, $0x38;
	[tilespmem:$0x5140] =	vst v63  }
0x58: {  	_ =	swait.ge [sflag:s31], $0x400  }
0x59: {  	[sflag:s31] =	ssyncset.done $0x0  }
0x5a: {  	[sflag:s31] =	ssyncadd.s32 $0xFFFFFC00  }
.LBB2_3:
0x5b: {  	[bflag:$0x0] =	sbarrier.arrive $0xFFFF  }
0x5c: {  	s1 =	rddreg [dreg:$0x5]  }
0x5d: {  	[tilespmem:s13], [sflag:$0x2] =	stream.linear.gather [spmem:s1], $0x400, $0x38;
	[tilespmem:$0x5140] =	vst v63  }
0x5e: {  	s2 =	simm.s32 $0x1000  }
0x5f: {  	[tilespmem:s2], [sflag:$0x2] =	stream.linear.gather [spmem:s1], $0x400, $0x38;
	[tilespmem:$0x5140] =	vst v63  }
0x60: {  	s16 =	simm.s32 $0x1400  }
0x61: {  	[tilespmem:s16], [sflag:$0x2] =	stream.linear.gather [spmem:s1], $0x400, $0x38;
	[tilespmem:$0x5140] =	vst v63  }
0x62: {  	s17 =	simm.s32 $0x1800  }
0x63: {  	[tilespmem:s17], [sflag:$0x2] =	stream.linear.gather [spmem:s1], $0x400, $0x38;
	[tilespmem:$0x5140] =	vst v63  }
0x64: {  	s18 =	simm.s32 $0x1C00  }
0x65: {  	[tilespmem:s18], [sflag:$0x2] =	stream.linear.gather [spmem:s1], $0x400, $0x38;
	[tilespmem:$0x5140] =	vst v63  }
0x66: {  	s19 =	simm.s32 $0x2000  }
0x67: {  	[tilespmem:s19], [sflag:$0x2] =	stream.linear.gather [spmem:s1], $0x400, $0x38;
	[tilespmem:$0x5140] =	vst v63  }
0x68: {  	s20 =	simm.s32 $0x2400  }
0x69: {  	[tilespmem:s20], [sflag:$0x2] =	stream.linear.gather [spmem:s1], $0x400, $0x38;
	[tilespmem:$0x5140] =	vst v63  }
0x6a: {  	s21 =	simm.s32 $0x2800  }
0x6b: {  	[tilespmem:s21], [sflag:$0x2] =	stream.linear.gather [spmem:s1], $0x400, $0x38;
	[tilespmem:$0x5140] =	vst v63  }
0x6c: {  	s22 =	simm.s32 $0x2C00  }
0x6d: {  	[tilespmem:s22], [sflag:$0x2] =	stream.linear.gather [spmem:s1], $0x400, $0x38;
	[tilespmem:$0x5140] =	vst v63  }
0x6e: {  	s23 =	simm.s32 $0x3000  }
0x6f: {  	[tilespmem:s23], [sflag:$0x2] =	stream.linear.gather [spmem:s1], $0x400, $0x38;
	[tilespmem:$0x5140] =	vst v63  }
0x70: {  	s24 =	simm.s32 $0x3400  }
0x71: {  	[tilespmem:s24], [sflag:$0x2] =	stream.linear.gather [spmem:s1], $0x400, $0x38;
	[tilespmem:$0x5140] =	vst v63  }
0x72: {  	s25 =	simm.s32 $0x3800  }
0x73: {  	[tilespmem:s25], [sflag:$0x2] =	stream.linear.gather [spmem:s1], $0x400, $0x38;
	[tilespmem:$0x5140] =	vst v63  }
0x74: {  	s26 =	simm.s32 $0x3C00  }
0x75: {  	[tilespmem:s26], [sflag:$0x2] =	stream.linear.gather [spmem:s1], $0x400, $0x38;
	[tilespmem:$0x5140] =	vst v63  }
0x76: {  	s28 =	simm.s32 $0x4000  }
0x77: {  	[tilespmem:s28], [sflag:$0x2] =	stream.linear.gather [spmem:s1], $0x400, $0x38;
	[tilespmem:$0x5140] =	vst v63  }
0x78: {  	s29 =	simm.s32 $0x4400  }
0x79: {  	[tilespmem:s29], [sflag:$0x2] =	stream.linear.gather [spmem:s1], $0x400, $0x38;
	[tilespmem:$0x5140] =	vst v63  }
0x7a: {  	s30 =	simm.s32 $0x4800;
	s31 =	simm.s32 $0x1  }
0x7b: {  	[tilespmem:s30], [sflag:$0x2] =	stream.linear.gather [spmem:s1], $0x400, $0x38;
	[tilespmem:$0x5140] =	vst v63  }
0x7c: {  	_ =	swait.ge [sflag:s31], $0xC00  }
0x7d: {  	[sflag:s31] =	ssyncset.done $0x0  }
0x7e: {  	s10 =	simm.s32 $0x0;
	[sflag:s31] =	ssyncadd.s32 $0xFFFFF400  }
0x7f: {  	v7 =	vld [tilespmem:s10+$0x0];
	_ =	sdelay $0x1  }
0x80: {  	v8 =	vld [tilespmem:s10+$0x80];
	_ =	sdelay $0x1  }
0x81: {  	v9 =	vld [tilespmem:s10+$0x100]  }
0x82: {  	v7 =	vadd.f32 $0.0e+00, v7  }
0x83: {  	v10 =	vld [tilespmem:s10+$0x180]  }
0x84: {  	v7 =	vadd.f32 v8, v7  }
0x85: {  	v8 =	vld [tilespmem:s10+$0x200]  }
0x86: {  	v7 =	vadd.f32 v9, v7  }
0x87: {  	v9 =	vld [tilespmem:s10+$0x280]  }
0x88: {  	v7 =	vadd.f32 v10, v7  }
0x89: {  	v10 =	vld [tilespmem:s10+$0x300]  }
0x8a: {  	v7 =	vadd.f32 v8, v7  }
0x8b: {  	v8 =	vld [tilespmem:s10+$0x380]  }
0x8c: {  	v7 =	vadd.f32 v9, v7  }
0x8d: {  	v9 =	vld [tilespmem:s10+$0x400]  }
0x8e: {  	v7 =	vadd.f32 v10, v7  }
0x8f: {  	v10 =	vld [tilespmem:s10+$0x480]  }
0x90: {  	v7 =	vadd.f32 v8, v7  }
0x91: {  	v8 =	vld [tilespmem:s10+$0x500]  }
0x92: {  	v7 =	vadd.f32 v9, v7  }
0x93: {  	s9 =	simm.s32 $0x10;
	v9 =	vld [tilespmem:s10+$0x580]  }
0x94: {  	v11 =	vld [tilespmem:s9+$0x0];
	v7 =	vadd.f32 v10, v7  }
0x95: {  	v10 =	vld [tilespmem:s10+$0x600]  }
0x96: {  	v12 =	vld [tilespmem:s9+$0x80];
	v7 =	vadd.f32 v8, v7  }
0x97: {  	v8 =	vld [tilespmem:s10+$0x680]  }
0x98: {  	v13 =	vld [tilespmem:s9+$0x100];
	v7 =	vadd.f32 v9, v7  }
0x99: {  	v9 =	vld [tilespmem:s10+$0x700]  }
0x9a: {  	v14 =	vld [tilespmem:s9+$0x180];
	v11 =	vadd.f32 $0.0e+00, v11;
	v7 =	vadd.f32 v10, v7  }
0x9b: {  	v10 =	vld [tilespmem:s10+$0x780]  }
0x9c: {  	v11 =	vadd.f32 v12, v11;
	v12 =	vld [tilespmem:s9+$0x200];
	v7 =	vadd.f32 v8, v7  }
0x9d: {  	v8 =	vld [tilespmem:s10+$0x800]  }
0x9e: {  	v11 =	vadd.f32 v13, v11;
	v13 =	vld [tilespmem:s9+$0x280];
	v7 =	vadd.f32 v9, v7  }
0x9f: {  	v9 =	vld [tilespmem:s10+$0x880]  }
0xa0: {  	v11 =	vadd.f32 v14, v11;
	v14 =	vld [tilespmem:s9+$0x300];
	v7 =	vadd.f32 v10, v7  }
0xa1: {  	v10 =	vld [tilespmem:s10+$0x900]  }
0xa2: {  	v11 =	vadd.f32 v12, v11;
	v12 =	vld [tilespmem:s9+$0x380];
	v7 =	vadd.f32 v8, v7  }
0xa3: {  	v8 =	vld [tilespmem:s10+$0x980]  }
0xa4: {  	v11 =	vadd.f32 v13, v11;
	v13 =	vld [tilespmem:s9+$0x400];
	v7 =	vadd.f32 v9, v7  }
0xa5: {  	v9 =	vld [tilespmem:s10+$0xA00]  }
0xa6: {  	v15 =	vld [tilespmem:s9+$0x480];
	v11 =	vadd.f32 v14, v11;
	v7 =	vadd.f32 v10, v7  }
0xa7: {  	v14 =	vld [tilespmem:s10+$0xA80]  }
0xa8: {  	v11 =	vadd.f32 v12, v11;
	v10 =	vld [tilespmem:s9+$0x500];
	v8 =	vadd.f32 v8, v7  }
0xa9: {  	v7 =	vld [tilespmem:s10+$0xB00]  }
0xaa: {  	v12 =	vadd.f32 v13, v11;
	v11 =	vld [tilespmem:s9+$0x580];
	v13 =	vadd.f32 v9, v8  }
0xab: {  	v8 =	vld [tilespmem:s10+$0xB80]  }
0xac: {  	s14 =	simm.s32 $0x20;
	s15 =	simm.s32 $0xC0;
	v12 =	vadd.f32 v15, v12;
	v9 =	vld [tilespmem:s9+$0x600];
	v13 =	vadd.f32 v14, v13  }
.LBB2_4:
0xad: {  	p2 =	sne.s32 s15, $0x1C0;
	v14 =	vld [tilespmem:s14+$0x0]  }
0xae: {  	v10 =	vadd.f32 v10, v12;
	v12 =	vld [tilespmem:s9+$0x680];
	v7 =	vadd.f32 v7, v13  }
0xaf: {  	v13 =	vld [tilespmem:s14+$0x80]  }
0xb0: {  	v10 =	vadd.f32 v11, v10;
	v11 =	vld [tilespmem:s9+$0x700];
	v7 =	vadd.f32 v8, v7  }
0xb1: {  	v8 =	vld [tilespmem:s14+$0x100]  }
0xb2: {  	v14 =	vadd.f32 $0.0e+00, v14;
	v9 =	vadd.f32 v9, v10;
	v10 =	vld [tilespmem:s9+$0x780];
	[tilespmem:s10+$0x4C00] =	vst v7;
	s10 =	smov.u32 s9;
	s9 =	smov.u32 s14  }
0xb3: {  	v7 =	vld [tilespmem:s9+$0x180]  }
0xb4: {  	v13 =	vadd.f32 v13, v14;
	v9 =	vadd.f32 v12, v9;
	v12 =	vld [tilespmem:s10+$0x800]  }
0xb5: {  	v14 =	vld [tilespmem:s9+$0x200]  }
0xb6: {  	v8 =	vadd.f32 v8, v13;
	v9 =	vadd.f32 v11, v9;
	v11 =	vld [tilespmem:s10+$0x880]  }
0xb7: {  	v13 =	vld [tilespmem:s9+$0x280]  }
0xb8: {  	v7 =	vadd.f32 v7, v8;
	v8 =	vadd.f32 v10, v9;
	v9 =	vld [tilespmem:s10+$0x900]  }
0xb9: {  	v10 =	vld [tilespmem:s9+$0x300]  }
0xba: {  	v7 =	vadd.f32 v14, v7;
	v8 =	vadd.f32 v12, v8;
	v12 =	vld [tilespmem:s10+$0x980]  }
0xbb: {  	v14 =	vld [tilespmem:s9+$0x380]  }
0xbc: {  	v7 =	vadd.f32 v13, v7;
	v8 =	vadd.f32 v11, v8;
	v11 =	vld [tilespmem:s10+$0xA00]  }
0xbd: {  	v13 =	vld [tilespmem:s9+$0x400]  }
0xbe: {  	v7 =	vadd.f32 v10, v7;
	v8 =	vadd.f32 v9, v8;
	v15 =	vld [tilespmem:s10+$0xA80]  }
0xbf: {  	v9 =	vld [tilespmem:s9+$0x480]  }
.Ltmp1:
0xc0: {  	v14 =	vadd.f32 v14, v7;
	v8 =	vadd.f32 v12, v8;
	v7 =	vld [tilespmem:s10+$0xB00];
	(pc) =	sbr.rel @p2 .LBB2_4-.Ltmp1, $4  }
0xc1: {  	v10 =	vld [tilespmem:s9+$0x500]  }
0xc2: {  	v12 =	vadd.f32 v13, v14;
	v13 =	vadd.f32 v11, v8;
	v8 =	vld [tilespmem:s10+$0xB80]  }
0xc3: {  	v11 =	vld [tilespmem:s9+$0x580]  }
0xc4: {  	s14 =	sshra.s32 s15, $0x2;
	s15 =	sadd.s32 $0x40, s15;
	v12 =	vadd.f32 v9, v12;
	v9 =	vld [tilespmem:s9+$0x600];
	v13 =	vadd.f32 v15, v13  }
0xc5: {  	v14 =	vld [tilespmem:s14+$0x0]  }
0xc6: {  	v15 =	vld [tilespmem:s9+$0x680];
	v7 =	vadd.f32 v7, v13  }
0xc7: {  	v39 =	vld [tilespmem:s14+$0x80]  }
0xc8: {  	v16 =	vld [tilespmem:s9+$0x700];
	v10 =	vadd.f32 v10, v12;
	v7 =	vadd.f32 v8, v7  }
0xc9: {  	v8 =	vld [tilespmem:s14+$0x100]  }
0xca: {  	v40 =	vld [tilespmem:s9+$0x780];
	v10 =	vadd.f32 v11, v10;
	v41 =	vadd.f32 $0.0e+00, v14;
	[tilespmem:s10+$0x4C00] =	vst v7  }
0xcb: {  	v7 =	vld [tilespmem:s14+$0x180]  }
0xcc: {  	v9 =	vadd.f32 v9, v10;
	v42 =	vadd.f32 v39, v41  }
0xcd: {  	v43 =	vld [tilespmem:s14+$0x200]  }
0xce: {  	v44 =	vld [tilespmem:s9+$0x800];
	v9 =	vadd.f32 v15, v9;
	v8 =	vadd.f32 v8, v42  }
0xcf: {  	v45 =	vld [tilespmem:s14+$0x280]  }
0xd0: {  	v46 =	vld [tilespmem:s9+$0x880];
	v9 =	vadd.f32 v16, v9;
	v7 =	vadd.f32 v7, v8  }
0xd1: {  	v8 =	vld [tilespmem:s14+$0x300]  }
0xd2: {  	v47 =	vld [tilespmem:s9+$0x900];
	v9 =	vadd.f32 v40, v9;
	v7 =	vadd.f32 v43, v7  }
0xd3: {  	v48 =	vld [tilespmem:s14+$0x380]  }
0xd4: {  	v49 =	vld [tilespmem:s9+$0x980];
	v9 =	vadd.f32 v44, v9;
	v7 =	vadd.f32 v45, v7  }
0xd5: {  	v50 =	vld [tilespmem:s14+$0x400]  }
0xd6: {  	v51 =	vld [tilespmem:s9+$0xA00];
	v9 =	vadd.f32 v46, v9;
	v7 =	vadd.f32 v8, v7  }
0xd7: {  	v8 =	vld [tilespmem:s14+$0x480]  }
0xd8: {  	v52 =	vld [tilespmem:s9+$0xA80];
	v9 =	vadd.f32 v47, v9;
	v7 =	vadd.f32 v48, v7  }
0xd9: {  	v53 =	vld [tilespmem:s14+$0x500]  }
0xda: {  	v54 =	vld [tilespmem:s9+$0xB00];
	v9 =	vadd.f32 v49, v9;
	v7 =	vadd.f32 v50, v7  }
0xdb: {  	v55 =	vld [tilespmem:s14+$0x580]  }
0xdc: {  	v56 =	vld [tilespmem:s9+$0xB80];
	v9 =	vadd.f32 v51, v9;
	v7 =	vadd.f32 v8, v7  }
0xdd: {  	v8 =	vld [tilespmem:s14+$0x600]  }
0xde: {  	v9 =	vadd.f32 v52, v9;
	v7 =	vadd.f32 v53, v7  }
0xdf: {  	v57 =	vld [tilespmem:s14+$0x680]  }
0xe0: {  	v9 =	vadd.f32 v54, v9;
	v7 =	vadd.f32 v55, v7  }
0xe1: {  	v58 =	vld [tilespmem:s14+$0x700]  }
0xe2: {  	v9 =	vadd.f32 v56, v9;
	v7 =	vadd.f32 v8, v7  }
0xe3: {  	v8 =	vld [tilespmem:s14+$0x780]  }
0xe4: {  	[tilespmem:s9+$0x4C00] =	vst v9;
	v7 =	vadd.f32 v57, v7  }
0xe5: {  	v9 =	vld [tilespmem:s14+$0x800]  }
0xe6: {  	v7 =	vadd.f32 v58, v7  }
0xe7: {  	v59 =	vld [tilespmem:s14+$0x880]  }
0xe8: {  	v7 =	vadd.f32 v8, v7  }
0xe9: {  	v8 =	vld [tilespmem:s14+$0x900]  }
0xea: {  	v7 =	vadd.f32 v9, v7  }
0xeb: {  	v60 =	vld [tilespmem:s14+$0x980]  }
0xec: {  	v7 =	vadd.f32 v59, v7  }
0xed: {  	v61 =	vld [tilespmem:s14+$0xA00]  }
0xee: {  	v7 =	vadd.f32 v8, v7  }
0xef: {  	v8 =	vld [tilespmem:s14+$0xA80]  }
0xf0: {  	v7 =	vadd.f32 v60, v7  }
0xf1: {  	v62 =	vld [tilespmem:s14+$0xB00]  }
0xf2: {  	v7 =	vadd.f32 v61, v7  }
0xf3: {  	v63 =	vld [tilespmem:s14+$0xB80]  }
0xf4: {  	v7 =	vadd.f32 v8, v7;
	_ =	sdelay $0x1  }
0xf5: {  	v7 =	vadd.f32 v62, v7;
	_ =	sdelay $0x1  }
0xf6: {  	v7 =	vadd.f32 v63, v7;
	_ =	sdelay $0x1  }
0xf7: {  	s1 =	rddreg [dreg:$0x6];
	s2 =	simm.s32 $0x4C00;
	s3 =	simm.s32 $0x3;
	[tilespmem:s14+$0x4C00] =	vst v7  }
0xf8: {  	[spmem:s1] =	stream.linear.scatter [tilespmem:s2], [sflag:$0x3], $0x80, $0x38;
	[tilespmem:$0x5140] =	vst v63  }
0xf9: {  	_ =	swait.ge [sflag:s3], $0x80  }
0xfa: {  	[sflag:s3] =	ssyncset.done $0x0  }
0xfb: {  	[sflag:s3] =	ssyncadd.s32 $0xFFFFFF80  }
0xfc: {  	[bflag:$0x0] =	sbarrier.arrive $0xFFFF  }
0xfd: {  	s31 =	simm.s32 $0x4C80;
	s30 =	rddreg [dreg:$0x7]  }
0xfe: {  	[tilespmem:s31], [sflag:$0x3] =	stream.linear.gather [spmem:s30], $0x400, $0x38;
	[tilespmem:$0x5140] =	vst v63  }
0xff: {  	_ =	swait.ge [sflag:s3], $0x400  }
0x100: {  	[sflag:s3] =	ssyncset.done $0x0  }
0x101: {  	[sflag:s3] =	ssyncadd.s32 $0xFFFFFC00  }
0x102: {  	_ =	swait.ge [sflag:s0], $0x400  }
0x103: {  	[sflag:s0] =	ssyncset.done $0x0  }
0x104: {  	[sflag:s0] =	ssyncadd.s32 $0xFFFFFC00  }
0x105: {  	_ =	swait.ge [sflag:s0], $0x400  }
0x106: {  	[sflag:s0] =	ssyncset.done $0x0  }
0x107: {  	[sflag:s0] =	ssyncadd.s32 $0xFFFFFC00  }
0x108: {  	_ =	swait.ge [sflag:s0], $0x400  }
0x109: {  	[sflag:s0] =	ssyncset.done $0x0  }
0x10a: {  	[sflag:s0] =	ssyncadd.s32 $0xFFFFFC00  }
0x10b: {  	_ =	swait.ge [sflag:s0], $0x400  }
0x10c: {  	[sflag:s0] =	ssyncset.done $0x0  }
0x10d: {  	[sflag:s0] =	ssyncadd.s32 $0xFFFFFC00  }
0x10e: {  	_ =	swait.ge [sflag:s0], $0x400  }
0x10f: {  	[sflag:s0] =	ssyncset.done $0x0  }
0x110: {  	[sflag:s0] =	ssyncadd.s32 $0xFFFFFC00  }
0x111: {  	_ =	swait.ge [sflag:s0], $0x400  }
0x112: {  	[sflag:s0] =	ssyncset.done $0x0  }
0x113: {  	[sflag:s0] =	ssyncadd.s32 $0xFFFFFC00  }
0x114: {  	_ =	swait.ge [sflag:s0], $0x400  }
0x115: {  	[sflag:s0] =	ssyncset.done $0x0  }
0x116: {  	[sflag:s0] =	ssyncadd.s32 $0xFFFFFC00  }
0x117: {  	_ =	swait.ge [sflag:s0], $0x400  }
0x118: {  	[sflag:s0] =	ssyncset.done $0x0  }
0x119: {  	[sflag:s0] =	ssyncadd.s32 $0xFFFFFC00  }
0x11a: {  	_ =	swait.ge [sflag:s0], $0x400  }
0x11b: {  	[sflag:s0] =	ssyncset.done $0x0  }
0x11c: {  	[sflag:s0] =	ssyncadd.s32 $0xFFFFFC00  }
0x11d: {  	_ =	swait.ge [sflag:s0], $0x400  }
0x11e: {  	[sflag:s0] =	ssyncset.done $0x0  }
0x11f: {  	[sflag:s0] =	ssyncadd.s32 $0xFFFFFC00  }
0x120: {  	_ =	swait.ge [sflag:s0], $0x400  }
0x121: {  	[sflag:s0] =	ssyncset.done $0x0  }
0x122: {  	[sflag:s0] =	ssyncadd.s32 $0xFFFFFC00  }
0x123: {  	_ =	swait.ge [sflag:s0], $0x400  }
0x124: {  	[sflag:s0] =	ssyncset.done $0x0  }
0x125: {  	[sflag:s0] =	ssyncadd.s32 $0xFFFFFC00  }
0x126: {  	_ =	swait.ge [sflag:s0], $0x400  }
0x127: {  	[sflag:s0] =	ssyncset.done $0x0  }
0x128: {  	[sflag:s0] =	ssyncadd.s32 $0xFFFFFC00  }
0x129: {  	_ =	swait.ge [sflag:s0], $0x400  }
0x12a: {  	[sflag:s0] =	ssyncset.done $0x0  }
0x12b: {  	[sflag:s0] =	ssyncadd.s32 $0xFFFFFC00  }
0x12c: {  	_ =	swait.ge [sflag:s0], $0x400  }
0x12d: {  	[sflag:s0] =	ssyncset.done $0x0  }
0x12e: {  	[sflag:s0] =	ssyncadd.s32 $0xFFFFFC00  }
0x12f: {  	_ =	swait.ge [sflag:s0], $0x400  }
0x130: {  	[sflag:s0] =	ssyncset.done $0x0  }
0x131: {  	s10 =	simm.s32 $0x4E80;
	s9 =	simm.s32 $0x0;
	[sflag:s0] =	ssyncadd.s32 $0xFFFFFC00  }
.LBB2_6:
0x132: {  	v7 =	vld [tilespmem:s10+$0xFFFFFE00];
	_ =	sdelay $0x1  }
0x133: {  	v8 =	vld [tilespmem:s10+$0xFFFFFE80];
	_ =	sdelay $0x1  }
0x134: {  	v9 =	vld [tilespmem:s10+$0xFFFFFF00]  }
0x135: {  	v7 =	vadd.f32 $0.0e+00, v7  }
0x136: {  	v10 =	vld [tilespmem:s10+$0xFFFFFF80]  }
0x137: {  	v7 =	vadd.f32 v8, v7  }
0x138: {  	v8 =	vld [tilespmem:s10+$0x0]  }
0x139: {  	v7 =	vadd.f32 v9, v7  }
0x13a: {  	v59 =	vld [tilespmem:s10+$0x80]  }
0x13b: {  	v7 =	vadd.f32 v10, v7  }
0x13c: {  	v60 =	vld [tilespmem:s10+$0x100]  }
0x13d: {  	v7 =	vadd.f32 v8, v7  }
0x13e: {  	v8 =	vld [tilespmem:s10+$0x180]  }
0x13f: {  	v7 =	vadd.f32 v59, v7;
	_ =	sdelay $0x1  }
0x140: {  	v7 =	vadd.f32 v60, v7;
	_ =	sdelay $0x1  }
0x141: {  	v7 =	vadd.f32 v8, v7;
	_ =	sdelay $0x1  }
0x142: {  	v7 =	vmul.f32 v7, v6;
	_ =	sdelay $0x1  }
0x143: {  	v7 =	vmul.f32 $1.000000000e+01, v7;
	_ =	sdelay $0x1  }
0x144: {  	v7 =	vtrunc.f32 v7  }
0x145: {  	v7 =	vcvt.f32.s32 v7;
	_ =	sdelay $0x1  }
0x146: {  	(v2sf) =	vpush v7, $0xD;
	_ =	sdelay $0x1  }
0x147: {  	(v2sf) =	vpush v7, $0xC;
	_ =	sdelay $0x1  }
0x148: {  	(v2sf) =	vpush v7, $0xE;
	_ =	sdelay $0x1  }
0x149: {  	(v2sf) =	vpush v7, $0xF;
	_ =	sdelay $0x1  }
0x14a: {  	(v2sf) =	vpush v7, $0x9;
	_ =	sdelay $0x1  }
0x14b: {  	(v2sf) =	vpush v7, $0x8;
	_ =	sdelay $0x1  }
0x14c: {  	(v2sf) =	vpush v7, $0xA;
	_ =	sdelay $0x1  }
0x14d: {  	(v2sf) =	vpush v7, $0xB  }
0x14e: {  	s14 =	spop (v2sf)  }
0x14f: {  	(v2sf) =	vpush v7, $0x0;
	s15 =	smulhi.u32 $0x10624DD3, s14;
	s14 =	sshra.s32 s14, $0x1F  }
0x150: {  	(v2sf) =	vpush v7, $0x1;
	s16 =	spop (v2sf);
	s14 =	smul.u32 $0x10624DD3, s14  }
0x151: {  	s17 =	smulhi.u32 $0x10624DD3, s16;
	s16 =	sshra.s32 s16, $0x1F  }
0x152: {  	(v2sf) =	vpush v7, $0x2;
	s18 =	spop (v2sf);
	s16 =	smul.u32 $0x10624DD3, s16  }
0x153: {  	(v2sf) =	vpush v7, $0x3;
	s20 =	smulhi.u32 $0x10624DD3, s18;
	s18 =	sshra.s32 s18, $0x1F  }
0x154: {  	(v2sf) =	vpush v7, $0x4;
	s19 =	spop (v2sf);
	s18 =	smul.u32 $0x10624DD3, s18  }
0x155: {  	(v2sf) =	vpush v7, $0x5;
	s24 =	smulhi.u32 $0x10624DD3, s19;
	s19 =	sshra.s32 s19, $0x1F  }
0x156: {  	(v2sf) =	vpush v7, $0x6;
	s21 =	spop (v2sf);
	s19 =	smul.u32 $0x10624DD3, s19  }
0x157: {  	(v2sf) =	vpush v7, $0x7;
	s25 =	smulhi.u32 $0x10624DD3, s21;
	s21 =	sshra.s32 s21, $0x1F  }
0x158: {  	s22 =	spop (v2sf);
	s21 =	smul.u32 $0x10624DD3, s21  }
0x159: {  	s15 =	sadd.s32 s14, s15;
	s31 =	smulhi.u32 $0x10624DD3, s22;
	s22 =	sshra.s32 s22, $0x1F  }
0x15a: {  	s17 =	sadd.s32 s16, s17;
	s23 =	spop (v2sf);
	s22 =	smul.u32 $0x10624DD3, s22  }
0x15b: {  	s12 =	sshrl.u32 s17, $0x1F;
	s4 =	smulhi.u32 $0x10624DD3, s23;
	s23 =	sshra.s32 s23, $0x1F  }
0x15c: {  	s16 =	sadd.s32 s18, s20;
	s26 =	spop (v2sf);
	s6 =	smul.u32 $0x10624DD3, s23  }
0x15d: {  	s14 =	sadd.s32 s19, s24;
	s8 =	smulhi.u32 $0x10624DD3, s26;
	s26 =	sshra.s32 s26, $0x1F  }
0x15e: {  	s28 =	spop (v2sf);
	s21 =	sadd.s32 s21, s25;
	s26 =	smul.u32 $0x10624DD3, s26  }
0x15f: {  	s29 =	spop (v2sf);
	s30 =	smulhi.u32 $0x10624DD3, s28;
	s1 =	sshra.s32 s28, $0x1F  }
0x160: {  	s28 =	sshrl.u32 s15, $0x1F;
	s22 =	sadd.s32 s22, s31;
	s1 =	smul.u32 $0x10624DD3, s1  }
0x161: {  	s11 =	spop (v2sf);
	s20 =	smulhi.u32 $0x10624DD3, s29;
	s3 =	sshra.s32 s29, $0x1F  }
0x162: {  	s29 =	sshrl.u32 s16, $0x1F;
	s2 =	spop (v2sf);
	s24 =	smul.u32 $0x10624DD3, s3  }
0x163: {  	s25 =	smulhi.u32 $0x10624DD3, s11;
	s11 =	sshra.s32 s11, $0x1F;
	s5 =	spop (v2sf)  }
0x164: {  	s19 =	sadd.s32 s6, s4;
	s11 =	smul.u32 $0x10624DD3, s11;
	s7 =	spop (v2sf)  }
0x165: {  	s4 =	smulhi.u32 $0x10624DD3, s2;
	s2 =	sshra.s32 s2, $0x1F;
	s23 =	spop (v2sf)  }
0x166: {  	s18 =	sadd.s32 s26, s8;
	s2 =	smul.u32 $0x10624DD3, s2;
	s26 =	spop (v2sf)  }
0x167: {  	s3 =	sshrl.u32 s14, $0x1F;
	s31 =	smulhi.u32 $0x10624DD3, s26;
	s6 =	sshra.s32 s26, $0x1F  }
0x168: {  	s1 =	sadd.s32 s1, s30;
	s30 =	sshrl.u32 s22, $0x1F;
	s6 =	smul.u32 $0x10624DD3, s6  }
0x169: {  	s11 =	sadd.s32 s11, s25;
	s25 =	smulhi.u32 $0x10624DD3, s5;
	s5 =	sshra.s32 s5, $0x1F  }
0x16a: {  	v61 =	vmov s12;
	s24 =	sadd.s32 s24, s20;
	s5 =	smul.u32 $0x10624DD3, s5;
	s20 =	sadd.s32 s6, s31  }
0x16b: {  	v9 =	vsel vm0, s28, v61;
	s8 =	sshrl.u32 s18, $0x1F;
	s28 =	sshra.s32 s24, $0x6;
	s31 =	sshra.s32 s20, $0x1F  }
0x16c: {  	s2 =	sadd.s32 s2, s4;
	s5 =	sadd.s32 s5, s25;
	s25 =	sshra.s32 s1, $0x6;
	v8 =	vmov s31  }
0x16d: {  	v9 =	vsel vm1, s29, v9;
	s29 =	sshrl.u32 s11, $0x1F;
	s31 =	sshrl.u32 s1, $0x1F;
	s1 =	sshra.s32 s1, $0x1F;
	v8 =	vsel vm3, s25, v8  }
0x16e: {  	v11 =	vmov s30;
	s12 =	smulhi.u32 $0x10624DD3, s7;
	s7 =	sshra.s32 s7, $0x1F;
	s26 =	sshrl.u32 s21, $0x1F;
	v8 =	vsel vm9, s1, v8  }
0x16f: {  	v11 =	vsel vm0, s26, v11;
	s6 =	sshrl.u32 s19, $0x1F;
	s25 =	sshrl.u32 s24, $0x1F;
	s24 =	sshra.s32 s24, $0x1F;
	v8 =	vsel vm0, s28, v8  }
0x170: {  	v9 =	vsel vm2, s3, v9;
	s30 =	sshra.s32 s2, $0x6;
	s7 =	smul.u32 $0x10624DD3, s7;
	v11 =	vsel vm1, s6, v11;
	v8 =	vsel vm10, s24, v8;
	s24 =	sshra.s32 s11, $0x6  }
0x171: {  	s3 =	smulhi.u32 $0x10624DD3, s23;
	s21 =	sshra.s32 s21, $0x6;
	v11 =	vsel vm2, s8, v11;
	v62 =	vmov s31;
	s11 =	sshra.s32 s11, $0x1F;
	v8 =	vsel vm1, s24, v8  }
0x172: {  	s8 =	sshra.s32 s17, $0x6;
	s17 =	sshra.s32 s15, $0x6;
	s31 =	sshra.s32 s23, $0x1F;
	v9 =	vcombine.low v11, v9;
	v10 =	vnsel vm3, $0x0, v62;
	v8 =	vsel vm11, s11, v8  }
0x173: {  	v63 =	vmov s8;
	s23 =	sshra.s32 s16, $0x6;
	v10 =	vsel vm0, s25, v10;
	s25 =	sshrl.u32 s2, $0x1F;
	s2 =	sshra.s32 s2, $0x1F;
	v8 =	vsel vm2, s30, v8  }
0x174: {  	s4 =	smul.u32 $0x10624DD3, s31;
	v11 =	vsel vm0, s17, v63;
	s28 =	sadd.s32 s7, s12;
	s7 =	sshra.s32 s5, $0x6;
	v10 =	vsel vm1, s29, v10;
	v8 =	vsel vm12, s2, v8  }
0x175: {  	s12 =	sshra.s32 s5, $0x1F;
	v11 =	vsel vm1, s23, v11;
	s29 =	sshrl.u32 s5, $0x1F;
	v10 =	vsel vm2, s25, v10;
	s11 =	sshra.s32 s22, $0x6;
	v8 =	vsel vm4, s7, v8  }
0x176: {  	s31 =	sshrl.u32 s28, $0x1F;
	s25 =	sshra.s32 s14, $0x6;
	v10 =	vsel vm4, s29, v10;
	s22 =	sshra.s32 s28, $0x6;
	v12 =	vmov s11;
	v8 =	vsel vm13, s12, v8  }
0x177: {  	s3 =	sadd.s32 s4, s3;
	s1 =	sshra.s32 s28, $0x1F;
	s24 =	sshra.s32 s19, $0x6;
	v11 =	vsel vm2, s25, v11;
	v12 =	vsel vm0, s21, v12;
	v8 =	vsel vm5, s22, v8  }
0x178: {  	s26 =	sshra.s32 s18, $0x6;
	s4 =	sshrl.u32 s3, $0x1F;
	s28 =	sshra.s32 s3, $0x6;
	v10 =	vsel vm5, s31, v10;
	v12 =	vsel vm1, s24, v12;
	v8 =	vsel vm14, s1, v8  }
0x179: {  	s29 =	sshrl.u32 s20, $0x1F;
	s30 =	sshra.s32 s3, $0x1F;
	v10 =	vsel vm6, s4, v10;
	v12 =	vsel vm2, s26, v12;
	v8 =	vsel vm6, s28, v8  }
0x17a: {  	s31 =	sshra.s32 s20, $0x6;
	v10 =	vsel vm7, s29, v10;
	v11 =	vcombine.low v12, v11;
	v8 =	vsel vm15, s30, v8  }
0x17b: {  	v9 =	vperm.xlane v9, v3;
	v10 =	vperm.xlane v10, v5;
	v8 =	vsel vm7, s31, v8  }
0x17c: {  	vm2 =	vmmov vm1;
	v11 =	vperm.xlane v11, v3;
	v8 =	vperm.xlane v8, v5  }
0x17d: {  	vm1 =	vmmov vm0;
	vm0 =	vmmov vm8;
	v9 =	vsel vm8, v10, v9  }
0x17e: {  	v8 =	vsel vm8, v8, v11;
	vm8 =	vmmov vm7;
	vm7 =	vmmov vm6  }
0x17f: {  	vm6 =	vmmov vm5;
	vm5 =	vmmov vm4;
	v8 =	vadd.s32 v9, v8  }
0x180: {  	vm4 =	vmmov vm3;
	vm3 =	vmmov vm15;
	v8 =	vmul.u32 $0x3E8, v8  }
0x181: {  	vm15 =	vmmov vm14;
	vm14 =	vmmov vm13;
	vm13 =	vmmov vm12  }
0x182: {  	vm12 =	vmmov vm11;
	vm11 =	vmmov vm10;
	v7 =	vsub.s32 v7, v8  }
0x183: {  	vm10 =	vmmov vm9;
	vm9 =	vlt.s32 v7, $0x0;
	v8 =	vadd.s32 $0x3E8, v7  }
0x184: {  	v7 =	vsel vm9, v8, v7  }
0x185: {  	v7 =	vsub.s32 v7, v0  }
0x186: {  	vm9 =	vlt.u32 v7, $0x80;
	v7 =	vshll.u32 v7, $0x7  }
0x187: {  	v7 =	vnsel vm9, $0x0, v7  }
0x188: {  	v7 =	vor.u32 s9, v7  }
0x189: {  	v7 =	vor.u32 v4, v7;
	_ =	sdelay $0x4  }
0x18a: {  	p2 =	sne.s32 s9, $0x70;
	[tilespmem:v7+s13+$0x0] =	vst.idx.msk vm9, v2;
	vm9 =	vmmov vm10  }
.Ltmp2:
0x18b: {  	vm10 =	vmmov vm11;
	vm11 =	vmmov vm12;
	vm12 =	vmmov vm13;
	(pc) =	sbr.rel @p2 .LBB2_6-.Ltmp2, $4  }
0x18c: {  	vm13 =	vmmov vm14;
	vm14 =	vmmov vm15;
	vm15 =	vmmov vm3  }
0x18d: {  	vm3 =	vmmov vm4;
	vm4 =	vmmov vm5;
	vm5 =	vmmov vm6  }
0x18e: {  	vm6 =	vmmov vm7;
	vm7 =	vmmov vm8;
	vm8 =	vmmov vm0  }
0x18f: {  	s10 =	sadd.s32 $0x10, s10;
	s9 =	sadd.s32 $0x10, s9;
	vm0 =	vmmov vm1;
	vm1 =	vmmov vm2;
	vm2 =	vcmask $0x1B18  }
0x190: {  	s1 =	simm.s32 @p1 $0x400  }
0x191: {  	s2 =	simm.s32 @p1 $0x1000;
	s3 =	simm.s32 @p1 $0xC00;
	s4 =	rddreg [dreg:$0x9]  }
0x192: {  	[hbm4b:s4+s1] =	stream.strided.scatter @p1 [tilespmem:s3], [sflag:$0x3], $0x3400, s2, s1, $0x38;
	[tilespmem:$0x5140] =	vst v63  }
0x193: {  	s1 =	simm.s32 @p1 $0x3  }
0x194: {  	_ =	swait.ge @p1 [sflag:s1], $0x3400  }
0x195: {  	s2 =	simm.s32 @!p1 $0x1000;
	s3 =	simm.s32 @!p1 $0xC00;
	[sflag:s1] =	ssyncset.done @p1 $0x0  }
0x196: {  	s4 =	rddreg [dreg:$0x8];
	[sflag:s1] =	ssyncadd.s32 @p1 $0xFFFFCC00;
	s1 =	simm.s32 @!p1 $0x400  }
0x197: {  	[hbm4b:s4+s1] =	stream.strided.scatter @!p1 [tilespmem:s3], [sflag:$0x3], $0x4000, s2, s1, $0x38;
	[tilespmem:$0x5140] =	vst v63  }
0x198: {  	s1 =	simm.s32 @!p1 $0x3  }
0x199: {  	_ =	swait.ge @!p1 [sflag:s1], $0x4000  }
0x19a: {  	s30 =	rddreg [dreg:$0xb]  }
0x19b: {  	s31 =	rddreg [dreg:$0xa];
	s3 =	sadd.s32 $0x1, s30  }
0x19c: {  	p2 =	sne.s32 s3, s31  }
.Ltmp3:
0x19d: {  	_ = 	snop;
	(pc) =	sbr.rel @p2 .LBB2_1-.Ltmp3, $3  }
0x19e: {  	_ =	sdelay $0x1  }
0x19f: {  	[sflag:s1] =	ssyncset.done @!p1 $0x0  }
0x1a0: {  	[sflag:s1] =	ssyncadd.s32 @!p1 $0xFFFFC000  }
0x1a1: {  	_ =	sfence.sel $0x180000  }
0x1a2: {  	[bflag:$0x0] =	sbarrier.arrive $0xFFFF  }
0x1a3: {  	_ =	strace $0x90000047  }
0x1a4: {  	[bflag:$0x2] =	sbarrier.arrive $0xFFFF  }
0x1a5: {  	s0 =	rddreg [dreg:$0x3]  }
0x1a6: {  	s0 =	sadd.s32 @!p0 $0x100000, s0  }
0x1a7: {  	[sflag:s0] =	ssyncadd.tile.s32 @!p0 $0x1;
	_ =	shalt  }
.Lfunc_end2:
_tile_overlayer_lowered:
.L_overlay_start_2:
0x1a8: {  	(tag) =	ssettag $0x2  }
0x1a9: {  	s0 =	rddreg [dreg:$0x0];
	s2 =	stileid.u32  }
0x1aa: {  	s1 =	rddreg [dreg:$0x1];
	p0 =	sne.s32 s2, $0x0  }
0x1ab: {  	s3 =	rddreg [dreg:$0x2];
	[bflag:$0x3] =	sbarrier.arrive $0xFFFF;
	s2 =	simm.s32 @!p0 $0x1C03  }
0x1ac: {  	[timem:s3], [sflag:s2] =	dma.local @!p0 [hbm:s0], s1  }
0x1ad: {  	s0 =	simm.s32 @!p0 $0x3  }
0x1ae: {  	_ =	swait.ge @!p0 [sflag:s0], s1  }
0x1af: {  	s1 =	ssub.s32 @!p0 $0x0, s1;
	[sflag:s0] =	ssyncset.done @!p0 $0x0  }
0x1b0: {  	[sflag:s0] =	ssyncadd.s32 @!p0 s1  }
0x1b1: {  	[bflag:$0x3] =	sbarrier.arrive $0xFFFF  }
0x1b2: {  	_ =	shalt  }

</sc_bundles>
